<compile_context>
chip_gen: v7x
topology: tpu7x:2x2x1
jax: 0.10.2.dev20260603
libtpu: 0.0.44.dev20260713+nightly
codegen_flags: <defaults>
</compile_context>

<pallas_src>
import functools
import math

import jax
import jax.numpy as jnp
from jax import lax
from jax.experimental import pallas as pl
from jax.experimental.pallas import tpu as pltpu
from jax.experimental.pallas import tpu_sc as plsc

D_MODEL = 64
SCALE = math.sqrt(D_MODEL)
LANES = 16
CHUNK = 128
NUM_CORES = 2
NUM_SUBCORES = 16
NUM_WORKERS = NUM_CORES * NUM_SUBCORES


@functools.lru_cache(maxsize=None)
def _make_kernel(batch: int, hist: int):
    B = batch * hist
    assert B % (NUM_WORKERS * CHUNK) == 0 and batch % CHUNK == 0
    blocks_per_h = batch // CHUNK
    b_per_w = B // NUM_WORKERS
    nch = b_per_w // CHUNK
    mesh = plsc.VectorSubcoreMesh(core_axis_name="c", subcore_axis_name="s")

    @functools.partial(
        pl.kernel,
        mesh=mesh,
        out_type=jax.ShapeDtypeStruct((hist, D_MODEL, batch), jnp.float32),
        scratch_types=[
            pltpu.VMEM((CHUNK,), jnp.int32),
            pltpu.VMEM((CHUNK,), jnp.int32),
            pltpu.VMEM((CHUNK, D_MODEL), jnp.float32),
            pltpu.VMEM((CHUNK, D_MODEL), jnp.float32),
            pltpu.VMEM((D_MODEL, CHUNK + 1), jnp.float32),
            pltpu.VMEM((D_MODEL, CHUNK + 1), jnp.float32),
            pltpu.SemaphoreType.DMA,
            pltpu.SemaphoreType.DMA,
            pltpu.SemaphoreType.DMA,
            pltpu.SemaphoreType.DMA,
            pltpu.SemaphoreType.DMA,
            pltpu.SemaphoreType.DMA,
        ],
        compiler_params=pltpu.CompilerParams(
            use_tc_tiling_on_sc=False, needs_layout_passes=False
        ),
    )
    def k(xt_hbm, table_hbm, out_hbm, i0, i1, b0_, b1_, t0, t1, si0, si1, sg0, sg1, so0, so1):
        wid = lax.axis_index("s") * NUM_CORES + lax.axis_index("c")
        cbase = wid * nch

        idxs = (i0, i1)
        bufs = (b0_, b1_)
        tbufs = (t0, t1)
        isems = (si0, si1)
        gsems = (sg0, sg1)
        osems = (so0, so1)

        def fetch_idx(j, u):
            pltpu.async_copy(
                xt_hbm.at[pl.ds((cbase + j) * CHUNK, CHUNK)], idxs[u], isems[u]
            )

        def wait_idx(j, u):
            pltpu.make_async_copy(
                xt_hbm.at[pl.ds((cbase + j) * CHUNK, CHUNK)], idxs[u], isems[u]
            ).wait()

        def fire_gather(u):
            pltpu.async_copy(table_hbm.at[idxs[u]], bufs[u], gsems[u])

        def wait_gather(u):
            pltpu.make_async_copy(table_hbm.at[idxs[u]], bufs[u], gsems[u]).wait()

        rows = [
            (lax.iota(jnp.int32, LANES) + c * LANES) for c in range(D_MODEL // LANES)
        ]

        fetch_idx(0, 0)
        wait_idx(0, 0)
        fire_gather(0)
        fetch_idx(1, 1)

        def outer(g, _):
            for u in range(2):
                j = g * 2 + u
                o = 1 - u
                gc = cbase + j
                h = gc // blocks_per_h
                bb0 = (gc % blocks_per_h) * CHUNK

                @pl.when(j + 1 < nch)
                def _():
                    wait_idx(j + 1, o)
                    fire_gather(o)

                wait_gather(u)

                @pl.when(j + 2 < nch)
                def _():
                    fetch_idx(j + 2, u)

                buf = bufs[u]
                tbuf = tbufs[u]

                @pl.when(j >= 2)
                def _():
                    ph = (gc - 2) // blocks_per_h
                    pb = ((gc - 2) % blocks_per_h) * CHUNK
                    pltpu.make_async_copy(
                        tbuf.at[:, pl.ds(0, CHUNK)],
                        out_hbm.at[ph, :, pl.ds(pb, CHUNK)],
                        osems[u],
                    ).wait()

                @plsc.parallel_loop(0, CHUNK, unroll=8)
                def _(r):
                    col = jnp.full((LANES,), r, jnp.int32)
                    for c in range(D_MODEL // LANES):
                        v = buf[r, pl.ds(c * LANES, LANES)] * SCALE
                        plsc.store_scatter(tbuf, [rows[c], col], v)
                pltpu.async_copy(
                    tbuf.at[:, pl.ds(0, CHUNK)],
                    out_hbm.at[h, :, pl.ds(bb0, CHUNK)],
                    osems[u],
                )
            return 0

        lax.fori_loop(0, nch // 2, outer, 0)

        for u in range(2):
            j = nch - 2 + u
            gc = cbase + j
            h = gc // blocks_per_h
            bb0 = (gc % blocks_per_h) * CHUNK
            pltpu.make_async_copy(
                tbufs[u].at[:, pl.ds(0, CHUNK)],
                out_hbm.at[h, :, pl.ds(bb0, CHUNK)],
                osems[u],
            ).wait()

    return k


def kernel(x, table):
    batch, hist = x.shape
    xt = jnp.transpose(x).reshape(-1).astype(jnp.int32)
    out = _make_kernel(batch, hist)(xt, table)
    return jnp.transpose(out, (2, 0, 1))

# --- scband reference (transcript-rebuilt; emitter-appended) ---
"""Pipeline reference for scband-embeddings-40252433498146 (READ-ONLY COPY).

The authoritative reference and input builder live on the scoring server;
editing this copy changes nothing except your own understanding.
"""

import jax, jax.numpy as jnp
import numpy as np
import math

VOCAB = 1000000
D_MODEL = 64
BATCH = 16384
HIST = 50

def setup_inputs(seed: int = 0) -> dict:
    key = jax.random.key(seed)
    k1, k2 = jax.random.split(key)
    x = jax.random.randint(k1, (BATCH, HIST), 0, VOCAB, dtype=jnp.int64)
    table = jax.random.normal(k2, (VOCAB, D_MODEL), dtype=jnp.float32) * 0.02
    return {"x": x, "table": table}

def reference(x, table):
    scale = math.sqrt(D_MODEL)
    out = jnp.take(table, x, axis=0) * scale
    return out

if __name__ == "__main__":
    import jax
    _d = setup_inputs()
    print(jax.jit(kernel)(*tuple(_d.values())))

</pallas_src>

<mosaic_0001>
#map = affine_map<(d0, d1) -> (0)>
#map1 = affine_map<(d0, d1) -> (0, 0)>
#map2 = affine_map<(d0, d1) -> (0, 0, 0)>
module attributes {stable_mosaic.version = 14 : i64} {
  func.func @k(%arg0: i32, %arg1: i32, %arg2: memref<819200xi32, #tpu.memory_space<hbm>>, %arg3: memref<1000000x64xf32, #tpu.memory_space<hbm>>, %arg4: memref<50x64x16384xf32, #tpu.memory_space<hbm>>, %arg5: memref<128xi32, #tpu.memory_space<vmem>>, %arg6: memref<128xi32, #tpu.memory_space<vmem>>, %arg7: memref<128x64xf32, #tpu.memory_space<vmem>>, %arg8: memref<128x64xf32, #tpu.memory_space<vmem>>, %arg9: memref<64x129xf32, #tpu.memory_space<vmem>>, %arg10: memref<64x129xf32, #tpu.memory_space<vmem>>, %arg11: memref<!tpu.dma_semaphore, #tpu.memory_space<semaphore_mem>>, %arg12: memref<!tpu.dma_semaphore, #tpu.memory_space<semaphore_mem>>, %arg13: memref<!tpu.dma_semaphore, #tpu.memory_space<semaphore_mem>>, %arg14: memref<!tpu.dma_semaphore, #tpu.memory_space<semaphore_mem>>, %arg15: memref<!tpu.dma_semaphore, #tpu.memory_space<semaphore_mem>>, %arg16: memref<!tpu.dma_semaphore, #tpu.memory_space<semaphore_mem>>) attributes {dimension_semantics = [#tpu.dimension_semantics<core_parallel>, #tpu.dimension_semantics<subcore_parallel>], iteration_bounds = array<i64: 2, 16>, scalar_prefetch = 0 : i64, scratch_operands = 12 : i64, tpu.core_type = #tpu.core_type<sc_vector_subcore>, window_params = [{transform_indices = #map}, {transform_indices = #map1}, {transform_indices = #map2}]} {
    %mul3A = arith.constant 2 : i32
    %mul3A_0 = arith.muli %arg1, %mul3A : i32
    %add3A = arith.addi %mul3A_0, %arg0 : i32
    %mul3A_1 = arith.constant 200 : i32
    %mul3A_2 = arith.muli %add3A, %mul3A_1 : i32
    %iota3A = tpu.iota {dimensions = array<i32: 0>} : vector<16xi32>
    %add3A_3 = arith.constant 0 : i32
    %add3A_4 = vector.broadcast %add3A_3 : i32 to vector<16xi32>
    %add3A_5 = arith.addi %iota3A, %add3A_4 : vector<16xi32>
    %iota3A_6 = tpu.iota {dimensions = array<i32: 0>} : vector<16xi32>
    %add3A_7 = arith.constant 16 : i32
    %add3A_8 = vector.broadcast %add3A_7 : i32 to vector<16xi32>
    %add3A_9 = arith.addi %iota3A_6, %add3A_8 : vector<16xi32>
    %iota3A_10 = tpu.iota {dimensions = array<i32: 0>} : vector<16xi32>
    %add3A_11 = arith.constant 32 : i32
    %add3A_12 = vector.broadcast %add3A_11 : i32 to vector<16xi32>
    %add3A_13 = arith.addi %iota3A_10, %add3A_12 : vector<16xi32>
    %iota3A_14 = tpu.iota {dimensions = array<i32: 0>} : vector<16xi32>
    %add3A_15 = arith.constant 48 : i32
    %add3A_16 = vector.broadcast %add3A_15 : i32 to vector<16xi32>
    %add3A_17 = arith.addi %iota3A_14, %add3A_16 : vector<16xi32>
    %add3A_18 = arith.constant 0 : i32
    %add3A_19 = arith.addi %mul3A_2, %add3A_18 : i32
    %mul3A_20 = arith.constant 128 : i32
    %mul3A_21 = arith.muli %add3A_19, %mul3A_20 : i32
    %dma_start3A = tpu.memref_slice %arg2[%mul3A_21] : memref<819200xi32, #tpu.memory_space<hbm>> -> memref<128xi32, #tpu.memory_space<hbm>>
    %dma_start3A_22 = tpu.memref_slice %arg2[%mul3A_21] : memref<819200xi32, #tpu.memory_space<hbm>> -> memref<128xi32, #tpu.memory_space<hbm>>
    tpu.enqueue_dma source(%dma_start3A_22 : memref<128xi32, #tpu.memory_space<hbm>>) target(%arg5 : memref<128xi32, #tpu.memory_space<vmem>>) target_semaphore(%arg11 : memref<!tpu.dma_semaphore, #tpu.memory_space<semaphore_mem>>)
    %add3A_23 = arith.constant 0 : i32
    %add3A_24 = arith.addi %mul3A_2, %add3A_23 : i32
    %mul3A_25 = arith.constant 128 : i32
    %mul3A_26 = arith.muli %add3A_24, %mul3A_25 : i32
    %dma_wait3A = tpu.memref_slice %arg2[%mul3A_26] : memref<819200xi32, #tpu.memory_space<hbm>> -> memref<128xi32, #tpu.memory_space<hbm>>
    %dma_wait3A_27 = tpu.memref_slice %arg2[%mul3A_26] : memref<819200xi32, #tpu.memory_space<hbm>> -> memref<128xi32, #tpu.memory_space<hbm>>
    tpu.wait_dma2 semaphore(%arg11 : memref<!tpu.dma_semaphore, #tpu.memory_space<semaphore_mem>>) src(%dma_wait3A_27 : memref<128xi32, #tpu.memory_space<hbm>>) dst(%arg5 : memref<128xi32, #tpu.memory_space<vmem>>)
    %dma_start3A_28 = arith.constant 0 : i32
    %dma_start3A_29 = arith.constant 0 : i32
    %dma_start3A_30 = tpu.memref_slice %arg3[%dma_start3A_28, %dma_start3A_29] : memref<1000000x64xf32, #tpu.memory_space<hbm>> -> memref<1000000x64xf32, #tpu.memory_space<hbm>>
    tpu.enqueue_indirect_dma source(%dma_start3A_30 : memref<1000000x64xf32, #tpu.memory_space<hbm>>) target(%arg7 : memref<128x64xf32, #tpu.memory_space<vmem>>) offsets(%arg5 : memref<128xi32, #tpu.memory_space<vmem>>) semaphore(%arg13 : memref<!tpu.dma_semaphore, #tpu.memory_space<semaphore_mem>>)
    %add3A_31 = arith.constant 1 : i32
    %add3A_32 = arith.addi %mul3A_2, %add3A_31 : i32
    %mul3A_33 = arith.constant 128 : i32
    %mul3A_34 = arith.muli %add3A_32, %mul3A_33 : i32
    %dma_start3A_35 = tpu.memref_slice %arg2[%mul3A_34] : memref<819200xi32, #tpu.memory_space<hbm>> -> memref<128xi32, #tpu.memory_space<hbm>>
    %dma_start3A_36 = tpu.memref_slice %arg2[%mul3A_34] : memref<819200xi32, #tpu.memory_space<hbm>> -> memref<128xi32, #tpu.memory_space<hbm>>
    tpu.enqueue_dma source(%dma_start3A_36 : memref<128xi32, #tpu.memory_space<hbm>>) target(%arg6 : memref<128xi32, #tpu.memory_space<vmem>>) target_semaphore(%arg12 : memref<!tpu.dma_semaphore, #tpu.memory_space<semaphore_mem>>)
    %scan3A = arith.constant 0 : i32
    %scan3A_37 = arith.constant 0 : i32
    %scan3A_38 = arith.constant 100 : i32
    %scan3A_39 = arith.addi %scan3A_37, %scan3A_38 : i32
    %scan3A_40 = arith.constant 1 : i32
    %scan3A_41 = scf.for %scan3A_145 = %scan3A_37 to %scan3A_39 step %scan3A_40 iter_args(%scan3A_146 = %scan3A) -> (i32)  : i32 {
      %mul3A_147 = arith.constant 2 : i32
      %mul3A_148 = arith.muli %scan3A_145, %mul3A_147 : i32
      %add3A_149 = arith.constant 0 : i32
      %add3A_150 = arith.addi %mul3A_148, %add3A_149 : i32
      %add3A_151 = arith.addi %mul3A_2, %add3A_150 : i32
      %jit3A_152 = arith.constant 128 : i32
      %div3A_153 = arith.divsi %add3A_151, %jit3A_152 : i32
      %sign3A_154 = arith.constant 0 : i32
      %sign3A_155 = arith.cmpi sgt, %add3A_151, %sign3A_154 : i32
      %sign3A_156 = arith.extui %sign3A_155 : i1 to i32
      %sign3A_157 = arith.constant 0 : i32
      %sign3A_158 = arith.cmpi slt, %add3A_151, %sign3A_157 : i32
      %sign3A_159 = arith.extui %sign3A_158 : i1 to i32
      %sign3A_160 = arith.subi %sign3A_156, %sign3A_159 : i32
      %sign3A_161 = arith.constant 0 : i32
      %sign3A_162 = arith.cmpi sgt, %jit3A_152, %sign3A_161 : i32
      %sign3A_163 = arith.extui %sign3A_162 : i1 to i32
      %sign3A_164 = arith.constant 0 : i32
      %sign3A_165 = arith.cmpi slt, %jit3A_152, %sign3A_164 : i32
      %sign3A_166 = arith.extui %sign3A_165 : i1 to i32
      %sign3A_167 = arith.subi %sign3A_163, %sign3A_166 : i32
      %ne3A_168 = arith.cmpi ne, %sign3A_160, %sign3A_167 : i32
      %rem3A_169 = arith.remsi %add3A_151, %jit3A_152 : i32
      %ne3A_170 = arith.constant 0 : i32
      %ne3A_171 = arith.cmpi ne, %rem3A_169, %ne3A_170 : i32
      %and3A_172 = arith.andi %ne3A_168, %ne3A_171 : i1
      %sub3A_173 = arith.constant 1 : i32
      %sub3A_174 = arith.subi %div3A_153, %sub3A_173 : i32
      %select_n3A_175 = arith.select %and3A_172, %sub3A_174, %div3A_153 : i32
      %jit3A_176 = arith.constant 128 : i32
      %eq3A_177 = arith.constant 0 : i32
      %eq3A_178 = arith.cmpi eq, %jit3A_176, %eq3A_177 : i32
      %jit3A_179 = arith.constant 1 : i32
      %select_n3A_180 = arith.select %eq3A_178, %jit3A_179, %jit3A_176 : i32
      %rem3A_181 = arith.remsi %add3A_151, %select_n3A_180 : i32
      %ne3A_182 = arith.constant 0 : i32
      %ne3A_183 = arith.cmpi ne, %rem3A_181, %ne3A_182 : i32
      %lt3A_184 = arith.constant 0 : i32
      %lt3A_185 = arith.cmpi slt, %rem3A_181, %lt3A_184 : i32
      %lt3A_186 = arith.constant 0 : i32
      %lt3A_187 = arith.cmpi slt, %select_n3A_180, %lt3A_186 : i32
      %ne3A_188 = arith.xori %lt3A_185, %lt3A_187 : i1
      %and3A_189 = arith.andi %ne3A_188, %ne3A_183 : i1
      %add3A_190 = arith.addi %rem3A_181, %select_n3A_180 : i32
      %select_n3A_191 = arith.select %and3A_189, %add3A_190, %rem3A_181 : i32
      %mul3A_192 = arith.constant 128 : i32
      %mul3A_193 = arith.muli %select_n3A_191, %mul3A_192 : i32
      %add3A_194 = arith.constant 1 : i32
      %add3A_195 = arith.addi %add3A_150, %add3A_194 : i32
      %lt3A_196 = arith.constant 200 : i32
      %lt3A_197 = arith.cmpi slt, %add3A_195, %lt3A_196 : i32
      %convert_element_type3A = arith.extui %lt3A_197 : i1 to i32
      %cond3A = arith.constant 0 : i32
      %cond3A_198 = arith.cmpi ne, %convert_element_type3A, %cond3A : i32
      scf.if %cond3A_198 {
        %add3A_312 = arith.constant 1 : i32
        %add3A_313 = arith.addi %add3A_150, %add3A_312 : i32
        %add3A_314 = arith.addi %mul3A_2, %add3A_313 : i32
        %mul3A_315 = arith.constant 128 : i32
        %mul3A_316 = arith.muli %add3A_314, %mul3A_315 : i32
        %dma_wait3A_317 = tpu.memref_slice %arg2[%mul3A_316] : memref<819200xi32, #tpu.memory_space<hbm>> -> memref<128xi32, #tpu.memory_space<hbm>>
        %dma_wait3A_318 = tpu.memref_slice %arg2[%mul3A_316] : memref<819200xi32, #tpu.memory_space<hbm>> -> memref<128xi32, #tpu.memory_space<hbm>>
        tpu.wait_dma2 semaphore(%arg12 : memref<!tpu.dma_semaphore, #tpu.memory_space<semaphore_mem>>) src(%dma_wait3A_318 : memref<128xi32, #tpu.memory_space<hbm>>) dst(%arg6 : memref<128xi32, #tpu.memory_space<vmem>>)
        %dma_start3A_319 = arith.constant 0 : i32
        %dma_start3A_320 = arith.constant 0 : i32
        %dma_start3A_321 = tpu.memref_slice %arg3[%dma_start3A_319, %dma_start3A_320] : memref<1000000x64xf32, #tpu.memory_space<hbm>> -> memref<1000000x64xf32, #tpu.memory_space<hbm>>
        tpu.enqueue_indirect_dma source(%dma_start3A_321 : memref<1000000x64xf32, #tpu.memory_space<hbm>>) target(%arg8 : memref<128x64xf32, #tpu.memory_space<vmem>>) offsets(%arg6 : memref<128xi32, #tpu.memory_space<vmem>>) semaphore(%arg14 : memref<!tpu.dma_semaphore, #tpu.memory_space<semaphore_mem>>)
      } else {
      }
      %dma_wait3A_199 = arith.constant 0 : i32
      %dma_wait3A_200 = arith.constant 0 : i32
      %dma_wait3A_201 = tpu.memref_slice %arg3[%dma_wait3A_199, %dma_wait3A_200] : memref<1000000x64xf32, #tpu.memory_space<hbm>> -> memref<1000000x64xf32, #tpu.memory_space<hbm>>
      tpu.wait_indirect_dma semaphore(%arg13 : memref<!tpu.dma_semaphore, #tpu.memory_space<semaphore_mem>>) src(%dma_wait3A_201 : memref<1000000x64xf32, #tpu.memory_space<hbm>>) dst(%arg7 : memref<128x64xf32, #tpu.memory_space<vmem>>)
      %add3A_202 = arith.constant 2 : i32
      %add3A_203 = arith.addi %add3A_150, %add3A_202 : i32
      %lt3A_204 = arith.constant 200 : i32
      %lt3A_205 = arith.cmpi slt, %add3A_203, %lt3A_204 : i32
      %convert_element_type3A_206 = arith.extui %lt3A_205 : i1 to i32
      %cond3A_207 = arith.constant 0 : i32
      %cond3A_208 = arith.cmpi ne, %convert_element_type3A_206, %cond3A_207 : i32
      scf.if %cond3A_208 {
        %add3A_312 = arith.constant 2 : i32
        %add3A_313 = arith.addi %add3A_150, %add3A_312 : i32
        %add3A_314 = arith.addi %mul3A_2, %add3A_313 : i32
        %mul3A_315 = arith.constant 128 : i32
        %mul3A_316 = arith.muli %add3A_314, %mul3A_315 : i32
        %dma_start3A_317 = tpu.memref_slice %arg2[%mul3A_316] : memref<819200xi32, #tpu.memory_space<hbm>> -> memref<128xi32, #tpu.memory_space<hbm>>
        %dma_start3A_318 = tpu.memref_slice %arg2[%mul3A_316] : memref<819200xi32, #tpu.memory_space<hbm>> -> memref<128xi32, #tpu.memory_space<hbm>>
        tpu.enqueue_dma source(%dma_start3A_318 : memref<128xi32, #tpu.memory_space<hbm>>) target(%arg5 : memref<128xi32, #tpu.memory_space<vmem>>) target_semaphore(%arg11 : memref<!tpu.dma_semaphore, #tpu.memory_space<semaphore_mem>>)
      } else {
      }
      %ge3A = arith.constant 2 : i32
      %ge3A_209 = arith.cmpi sge, %add3A_150, %ge3A : i32
      %convert_element_type3A_210 = arith.extui %ge3A_209 : i1 to i32
      %cond3A_211 = arith.constant 0 : i32
      %cond3A_212 = arith.cmpi ne, %convert_element_type3A_210, %cond3A_211 : i32
      scf.if %cond3A_212 {
        %sub3A_312 = arith.constant 2 : i32
        %sub3A_313 = arith.subi %add3A_151, %sub3A_312 : i32
        %jit3A_314 = arith.constant 128 : i32
        %div3A_315 = arith.divsi %sub3A_313, %jit3A_314 : i32
        %sign3A_316 = arith.constant 0 : i32
        %sign3A_317 = arith.cmpi sgt, %sub3A_313, %sign3A_316 : i32
        %sign3A_318 = arith.extui %sign3A_317 : i1 to i32
        %sign3A_319 = arith.constant 0 : i32
        %sign3A_320 = arith.cmpi slt, %sub3A_313, %sign3A_319 : i32
        %sign3A_321 = arith.extui %sign3A_320 : i1 to i32
        %sign3A_322 = arith.subi %sign3A_318, %sign3A_321 : i32
        %sign3A_323 = arith.constant 0 : i32
        %sign3A_324 = arith.cmpi sgt, %jit3A_314, %sign3A_323 : i32
        %sign3A_325 = arith.extui %sign3A_324 : i1 to i32
        %sign3A_326 = arith.constant 0 : i32
        %sign3A_327 = arith.cmpi slt, %jit3A_314, %sign3A_326 : i32
        %sign3A_328 = arith.extui %sign3A_327 : i1 to i32
        %sign3A_329 = arith.subi %sign3A_325, %sign3A_328 : i32
        %ne3A_330 = arith.cmpi ne, %sign3A_322, %sign3A_329 : i32
        %rem3A_331 = arith.remsi %sub3A_313, %jit3A_314 : i32
        %ne3A_332 = arith.constant 0 : i32
        %ne3A_333 = arith.cmpi ne, %rem3A_331, %ne3A_332 : i32
        %and3A_334 = arith.andi %ne3A_330, %ne3A_333 : i1
        %sub3A_335 = arith.constant 1 : i32
        %sub3A_336 = arith.subi %div3A_315, %sub3A_335 : i32
        %select_n3A_337 = arith.select %and3A_334, %sub3A_336, %div3A_315 : i32
        %sub3A_338 = arith.constant 2 : i32
        %sub3A_339 = arith.subi %add3A_151, %sub3A_338 : i32
        %jit3A_340 = arith.constant 128 : i32
        %eq3A_341 = arith.constant 0 : i32
        %eq3A_342 = arith.cmpi eq, %jit3A_340, %eq3A_341 : i32
        %jit3A_343 = arith.constant 1 : i32
        %select_n3A_344 = arith.select %eq3A_342, %jit3A_343, %jit3A_340 : i32
        %rem3A_345 = arith.remsi %sub3A_339, %select_n3A_344 : i32
        %ne3A_346 = arith.constant 0 : i32
        %ne3A_347 = arith.cmpi ne, %rem3A_345, %ne3A_346 : i32
        %lt3A_348 = arith.constant 0 : i32
        %lt3A_349 = arith.cmpi slt, %rem3A_345, %lt3A_348 : i32
        %lt3A_350 = arith.constant 0 : i32
        %lt3A_351 = arith.cmpi slt, %select_n3A_344, %lt3A_350 : i32
        %ne3A_352 = arith.xori %lt3A_349, %lt3A_351 : i1
        %and3A_353 = arith.andi %ne3A_352, %ne3A_347 : i1
        %add3A_354 = arith.addi %rem3A_345, %select_n3A_344 : i32
        %select_n3A_355 = arith.select %and3A_353, %add3A_354, %rem3A_345 : i32
        %mul3A_356 = arith.constant 128 : i32
        %mul3A_357 = arith.muli %select_n3A_355, %mul3A_356 : i32
        %dma_wait3A_358 = arith.constant 0 : i32
        %dma_wait3A_359 = arith.constant 0 : i32
        %dma_wait3A_360 = tpu.memref_slice %arg9[%dma_wait3A_358, %dma_wait3A_359] : memref<64x129xf32, #tpu.memory_space<vmem>> -> memref<64x128xf32, #tpu.memory_space<vmem>>
        %dma_wait3A_361 = arith.constant 0 : i32
        %dma_wait3A_362 = tpu.memref_slice %arg4[%select_n3A_337, %dma_wait3A_361, %mul3A_357] : memref<50x64x16384xf32, #tpu.memory_space<hbm>> -> memref<1x64x128xf32, #tpu.memory_space<hbm>>
        %dma_wait3A_363 = tpu.memref_squeeze %dma_wait3A_362 : memref<1x64x128xf32, #tpu.memory_space<hbm>> -> memref<64x128xf32, #tpu.memory_space<hbm>>
        %dma_wait3A_364 = arith.constant 0 : i32
        %dma_wait3A_365 = tpu.memref_slice %arg4[%select_n3A_337, %dma_wait3A_364, %mul3A_357] : memref<50x64x16384xf32, #tpu.memory_space<hbm>> -> memref<1x64x128xf32, #tpu.memory_space<hbm>>
        %dma_wait3A_366 = tpu.memref_squeeze %dma_wait3A_365 : memref<1x64x128xf32, #tpu.memory_space<hbm>> -> memref<64x128xf32, #tpu.memory_space<hbm>>
        %dma_wait3A_367 = arith.constant 0 : i32
        %dma_wait3A_368 = arith.constant 0 : i32
        %dma_wait3A_369 = tpu.memref_slice %arg9[%dma_wait3A_367, %dma_wait3A_368] : memref<64x129xf32, #tpu.memory_space<vmem>> -> memref<64x128xf32, #tpu.memory_space<vmem>>
        tpu.wait_dma2 semaphore(%arg15 : memref<!tpu.dma_semaphore, #tpu.memory_space<semaphore_mem>>) src(%dma_wait3A_369 : memref<64x128xf32, #tpu.memory_space<vmem>>) dst(%dma_wait3A_366 : memref<64x128xf32, #tpu.memory_space<hbm>>)
      } else {
      }
      %parallel_loop3A = arith.constant 0 : i32
      %parallel_loop3A_213 = arith.constant 128 : i32
      %parallel_loop3A_214 = arith.constant 1 : i32
      scf.for %parallel_loop3A_312 = %parallel_loop3A to %parallel_loop3A_213 step %parallel_loop3A_214  : i32 {
        %parallel_loop3A_313 = vector.broadcast %parallel_loop3A_312 : i32 to vector<16xi32>
        %parallel_loop3A_314 = arith.index_cast %parallel_loop3A_312 : i32 to index
        %parallel_loop3A_315 = arith.constant 0 : index
        %parallel_loop3A_316 = tpu.vector_load %arg7[%parallel_loop3A_314, %parallel_loop3A_315] {strides = array<i32>} : memref<128x64xf32, #tpu.memory_space<vmem>>, vector<16xf32>,
        %parallel_loop3A_317 = arith.constant 8.000000e+00 : f32
        %parallel_loop3A_318 = vector.broadcast %parallel_loop3A_317 : f32 to vector<16xf32>
        %parallel_loop3A_319 = arith.mulf %parallel_loop3A_316, %parallel_loop3A_318 : vector<16xf32>
        tpu.vector_store_idx %arg9[%add3A_5, %parallel_loop3A_313], %parallel_loop3A_319 : memref<64x129xf32, #tpu.memory_space<vmem>>[vector<16xi32>, vector<16xi32>], vector<16xf32>,
        %parallel_loop3A_320 = arith.index_cast %parallel_loop3A_312 : i32 to index
        %parallel_loop3A_321 = arith.constant 16 : index
        %parallel_loop3A_322 = tpu.vector_load %arg7[%parallel_loop3A_320, %parallel_loop3A_321] {strides = array<i32>} : memref<128x64xf32, #tpu.memory_space<vmem>>, vector<16xf32>,
        %parallel_loop3A_323 = arith.constant 8.000000e+00 : f32
        %parallel_loop3A_324 = vector.broadcast %parallel_loop3A_323 : f32 to vector<16xf32>
        %parallel_loop3A_325 = arith.mulf %parallel_loop3A_322, %parallel_loop3A_324 : vector<16xf32>
        tpu.vector_store_idx %arg9[%add3A_9, %parallel_loop3A_313], %parallel_loop3A_325 : memref<64x129xf32, #tpu.memory_space<vmem>>[vector<16xi32>, vector<16xi32>], vector<16xf32>,
        %parallel_loop3A_326 = arith.index_cast %parallel_loop3A_312 : i32 to index
        %parallel_loop3A_327 = arith.constant 32 : index
        %parallel_loop3A_328 = tpu.vector_load %arg7[%parallel_loop3A_326, %parallel_loop3A_327] {strides = array<i32>} : memref<128x64xf32, #tpu.memory_space<vmem>>, vector<16xf32>,
        %parallel_loop3A_329 = arith.constant 8.000000e+00 : f32
        %parallel_loop3A_330 = vector.broadcast %parallel_loop3A_329 : f32 to vector<16xf32>
        %parallel_loop3A_331 = arith.mulf %parallel_loop3A_328, %parallel_loop3A_330 : vector<16xf32>
        tpu.vector_store_idx %arg9[%add3A_13, %parallel_loop3A_313], %parallel_loop3A_331 : memref<64x129xf32, #tpu.memory_space<vmem>>[vector<16xi32>, vector<16xi32>], vector<16xf32>,
        %parallel_loop3A_332 = arith.index_cast %parallel_loop3A_312 : i32 to index
        %parallel_loop3A_333 = arith.constant 48 : index
        %parallel_loop3A_334 = tpu.vector_load %arg7[%parallel_loop3A_332, %parallel_loop3A_333] {strides = array<i32>} : memref<128x64xf32, #tpu.memory_space<vmem>>, vector<16xf32>,
        %parallel_loop3A_335 = arith.constant 8.000000e+00 : f32
        %parallel_loop3A_336 = vector.broadcast %parallel_loop3A_335 : f32 to vector<16xf32>
        %parallel_loop3A_337 = arith.mulf %parallel_loop3A_334, %parallel_loop3A_336 : vector<16xf32>
        tpu.vector_store_idx %arg9[%add3A_17, %parallel_loop3A_313], %parallel_loop3A_337 : memref<64x129xf32, #tpu.memory_space<vmem>>[vector<16xi32>, vector<16xi32>], vector<16xf32>,
      } {sc.loop_unroll_factor = 8 : i64, sc.parallel_access}
      %dma_start3A_215 = arith.constant 0 : i32
      %dma_start3A_216 = arith.constant 0 : i32
      %dma_start3A_217 = tpu.memref_slice %arg9[%dma_start3A_215, %dma_start3A_216] : memref<64x129xf32, #tpu.memory_space<vmem>> -> memref<64x128xf32, #tpu.memory_space<vmem>>
      %dma_start3A_218 = arith.constant 0 : i32
      %dma_start3A_219 = tpu.memref_slice %arg4[%select_n3A_175, %dma_start3A_218, %mul3A_193] : memref<50x64x16384xf32, #tpu.memory_space<hbm>> -> memref<1x64x128xf32, #tpu.memory_space<hbm>>
      %dma_start3A_220 = tpu.memref_squeeze %dma_start3A_219 : memref<1x64x128xf32, #tpu.memory_space<hbm>> -> memref<64x128xf32, #tpu.memory_space<hbm>>
      %dma_start3A_221 = arith.constant 0 : i32
      %dma_start3A_222 = tpu.memref_slice %arg4[%select_n3A_175, %dma_start3A_221, %mul3A_193] : memref<50x64x16384xf32, #tpu.memory_space<hbm>> -> memref<1x64x128xf32, #tpu.memory_space<hbm>>
      %dma_start3A_223 = tpu.memref_squeeze %dma_start3A_222 : memref<1x64x128xf32, #tpu.memory_space<hbm>> -> memref<64x128xf32, #tpu.memory_space<hbm>>
      %dma_start3A_224 = arith.constant 0 : i32
      %dma_start3A_225 = arith.constant 0 : i32
      %dma_start3A_226 = tpu.memref_slice %arg9[%dma_start3A_224, %dma_start3A_225] : memref<64x129xf32, #tpu.memory_space<vmem>> -> memref<64x128xf32, #tpu.memory_space<vmem>>
      tpu.enqueue_dma source(%dma_start3A_226 : memref<64x128xf32, #tpu.memory_space<vmem>>) target(%dma_start3A_223 : memref<64x128xf32, #tpu.memory_space<hbm>>) target_semaphore(%arg15 : memref<!tpu.dma_semaphore, #tpu.memory_space<semaphore_mem>>)
      %mul3A_227 = arith.constant 2 : i32
      %mul3A_228 = arith.muli %scan3A_145, %mul3A_227 : i32
      %add3A_229 = arith.constant 1 : i32
      %add3A_230 = arith.addi %mul3A_228, %add3A_229 : i32
      %add3A_231 = arith.addi %mul3A_2, %add3A_230 : i32
      %jit3A_232 = arith.constant 128 : i32
      %div3A_233 = arith.divsi %add3A_231, %jit3A_232 : i32
      %sign3A_234 = arith.constant 0 : i32
      %sign3A_235 = arith.cmpi sgt, %add3A_231, %sign3A_234 : i32
      %sign3A_236 = arith.extui %sign3A_235 : i1 to i32
      %sign3A_237 = arith.constant 0 : i32
      %sign3A_238 = arith.cmpi slt, %add3A_231, %sign3A_237 : i32
      %sign3A_239 = arith.extui %sign3A_238 : i1 to i32
      %sign3A_240 = arith.subi %sign3A_236, %sign3A_239 : i32
      %sign3A_241 = arith.constant 0 : i32
      %sign3A_242 = arith.cmpi sgt, %jit3A_232, %sign3A_241 : i32
      %sign3A_243 = arith.extui %sign3A_242 : i1 to i32
      %sign3A_244 = arith.constant 0 : i32
      %sign3A_245 = arith.cmpi slt, %jit3A_232, %sign3A_244 : i32
      %sign3A_246 = arith.extui %sign3A_245 : i1 to i32
      %sign3A_247 = arith.subi %sign3A_243, %sign3A_246 : i32
      %ne3A_248 = arith.cmpi ne, %sign3A_240, %sign3A_247 : i32
      %rem3A_249 = arith.remsi %add3A_231, %jit3A_232 : i32
      %ne3A_250 = arith.constant 0 : i32
      %ne3A_251 = arith.cmpi ne, %rem3A_249, %ne3A_250 : i32
      %and3A_252 = arith.andi %ne3A_248, %ne3A_251 : i1
      %sub3A_253 = arith.constant 1 : i32
      %sub3A_254 = arith.subi %div3A_233, %sub3A_253 : i32
      %select_n3A_255 = arith.select %and3A_252, %sub3A_254, %div3A_233 : i32
      %jit3A_256 = arith.constant 128 : i32
      %eq3A_257 = arith.constant 0 : i32
      %eq3A_258 = arith.cmpi eq, %jit3A_256, %eq3A_257 : i32
      %jit3A_259 = arith.constant 1 : i32
      %select_n3A_260 = arith.select %eq3A_258, %jit3A_259, %jit3A_256 : i32
      %rem3A_261 = arith.remsi %add3A_231, %select_n3A_260 : i32
      %ne3A_262 = arith.constant 0 : i32
      %ne3A_263 = arith.cmpi ne, %rem3A_261, %ne3A_262 : i32
      %lt3A_264 = arith.constant 0 : i32
      %lt3A_265 = arith.cmpi slt, %rem3A_261, %lt3A_264 : i32
      %lt3A_266 = arith.constant 0 : i32
      %lt3A_267 = arith.cmpi slt, %select_n3A_260, %lt3A_266 : i32
      %ne3A_268 = arith.xori %lt3A_265, %lt3A_267 : i1
      %and3A_269 = arith.andi %ne3A_268, %ne3A_263 : i1
      %add3A_270 = arith.addi %rem3A_261, %select_n3A_260 : i32
      %select_n3A_271 = arith.select %and3A_269, %add3A_270, %rem3A_261 : i32
      %mul3A_272 = arith.constant 128 : i32
      %mul3A_273 = arith.muli %select_n3A_271, %mul3A_272 : i32
      %add3A_274 = arith.constant 1 : i32
      %add3A_275 = arith.addi %add3A_230, %add3A_274 : i32
      %lt3A_276 = arith.constant 200 : i32
      %lt3A_277 = arith.cmpi slt, %add3A_275, %lt3A_276 : i32
      %convert_element_type3A_278 = arith.extui %lt3A_277 : i1 to i32
      %cond3A_279 = arith.constant 0 : i32
      %cond3A_280 = arith.cmpi ne, %convert_element_type3A_278, %cond3A_279 : i32
      scf.if %cond3A_280 {
        %add3A_312 = arith.constant 1 : i32
        %add3A_313 = arith.addi %add3A_230, %add3A_312 : i32
        %add3A_314 = arith.addi %mul3A_2, %add3A_313 : i32
        %mul3A_315 = arith.constant 128 : i32
        %mul3A_316 = arith.muli %add3A_314, %mul3A_315 : i32
        %dma_wait3A_317 = tpu.memref_slice %arg2[%mul3A_316] : memref<819200xi32, #tpu.memory_space<hbm>> -> memref<128xi32, #tpu.memory_space<hbm>>
        %dma_wait3A_318 = tpu.memref_slice %arg2[%mul3A_316] : memref<819200xi32, #tpu.memory_space<hbm>> -> memref<128xi32, #tpu.memory_space<hbm>>
        tpu.wait_dma2 semaphore(%arg11 : memref<!tpu.dma_semaphore, #tpu.memory_space<semaphore_mem>>) src(%dma_wait3A_318 : memref<128xi32, #tpu.memory_space<hbm>>) dst(%arg5 : memref<128xi32, #tpu.memory_space<vmem>>)
        %dma_start3A_319 = arith.constant 0 : i32
        %dma_start3A_320 = arith.constant 0 : i32
        %dma_start3A_321 = tpu.memref_slice %arg3[%dma_start3A_319, %dma_start3A_320] : memref<1000000x64xf32, #tpu.memory_space<hbm>> -> memref<1000000x64xf32, #tpu.memory_space<hbm>>
        tpu.enqueue_indirect_dma source(%dma_start3A_321 : memref<1000000x64xf32, #tpu.memory_space<hbm>>) target(%arg7 : memref<128x64xf32, #tpu.memory_space<vmem>>) offsets(%arg5 : memref<128xi32, #tpu.memory_space<vmem>>) semaphore(%arg13 : memref<!tpu.dma_semaphore, #tpu.memory_space<semaphore_mem>>)
      } else {
      }
      %dma_wait3A_281 = arith.constant 0 : i32
      %dma_wait3A_282 = arith.constant 0 : i32
      %dma_wait3A_283 = tpu.memref_slice %arg3[%dma_wait3A_281, %dma_wait3A_282] : memref<1000000x64xf32, #tpu.memory_space<hbm>> -> memref<1000000x64xf32, #tpu.memory_space<hbm>>
      tpu.wait_indirect_dma semaphore(%arg14 : memref<!tpu.dma_semaphore, #tpu.memory_space<semaphore_mem>>) src(%dma_wait3A_283 : memref<1000000x64xf32, #tpu.memory_space<hbm>>) dst(%arg8 : memref<128x64xf32, #tpu.memory_space<vmem>>)
      %add3A_284 = arith.constant 2 : i32
      %add3A_285 = arith.addi %add3A_230, %add3A_284 : i32
      %lt3A_286 = arith.constant 200 : i32
      %lt3A_287 = arith.cmpi slt, %add3A_285, %lt3A_286 : i32
      %convert_element_type3A_288 = arith.extui %lt3A_287 : i1 to i32
      %cond3A_289 = arith.constant 0 : i32
      %cond3A_290 = arith.cmpi ne, %convert_element_type3A_288, %cond3A_289 : i32
      scf.if %cond3A_290 {
        %add3A_312 = arith.constant 2 : i32
        %add3A_313 = arith.addi %add3A_230, %add3A_312 : i32
        %add3A_314 = arith.addi %mul3A_2, %add3A_313 : i32
        %mul3A_315 = arith.constant 128 : i32
        %mul3A_316 = arith.muli %add3A_314, %mul3A_315 : i32
        %dma_start3A_317 = tpu.memref_slice %arg2[%mul3A_316] : memref<819200xi32, #tpu.memory_space<hbm>> -> memref<128xi32, #tpu.memory_space<hbm>>
        %dma_start3A_318 = tpu.memref_slice %arg2[%mul3A_316] : memref<819200xi32, #tpu.memory_space<hbm>> -> memref<128xi32, #tpu.memory_space<hbm>>
        tpu.enqueue_dma source(%dma_start3A_318 : memref<128xi32, #tpu.memory_space<hbm>>) target(%arg6 : memref<128xi32, #tpu.memory_space<vmem>>) target_semaphore(%arg12 : memref<!tpu.dma_semaphore, #tpu.memory_space<semaphore_mem>>)
      } else {
      }
      %ge3A_291 = arith.constant 2 : i32
      %ge3A_292 = arith.cmpi sge, %add3A_230, %ge3A_291 : i32
      %convert_element_type3A_293 = arith.extui %ge3A_292 : i1 to i32
      %cond3A_294 = arith.constant 0 : i32
      %cond3A_295 = arith.cmpi ne, %convert_element_type3A_293, %cond3A_294 : i32
      scf.if %cond3A_295 {
        %sub3A_312 = arith.constant 2 : i32
        %sub3A_313 = arith.subi %add3A_231, %sub3A_312 : i32
        %jit3A_314 = arith.constant 128 : i32
        %div3A_315 = arith.divsi %sub3A_313, %jit3A_314 : i32
        %sign3A_316 = arith.constant 0 : i32
        %sign3A_317 = arith.cmpi sgt, %sub3A_313, %sign3A_316 : i32
        %sign3A_318 = arith.extui %sign3A_317 : i1 to i32
        %sign3A_319 = arith.constant 0 : i32
        %sign3A_320 = arith.cmpi slt, %sub3A_313, %sign3A_319 : i32
        %sign3A_321 = arith.extui %sign3A_320 : i1 to i32
        %sign3A_322 = arith.subi %sign3A_318, %sign3A_321 : i32
        %sign3A_323 = arith.constant 0 : i32
        %sign3A_324 = arith.cmpi sgt, %jit3A_314, %sign3A_323 : i32
        %sign3A_325 = arith.extui %sign3A_324 : i1 to i32
        %sign3A_326 = arith.constant 0 : i32
        %sign3A_327 = arith.cmpi slt, %jit3A_314, %sign3A_326 : i32
        %sign3A_328 = arith.extui %sign3A_327 : i1 to i32
        %sign3A_329 = arith.subi %sign3A_325, %sign3A_328 : i32
        %ne3A_330 = arith.cmpi ne, %sign3A_322, %sign3A_329 : i32
        %rem3A_331 = arith.remsi %sub3A_313, %jit3A_314 : i32
        %ne3A_332 = arith.constant 0 : i32
        %ne3A_333 = arith.cmpi ne, %rem3A_331, %ne3A_332 : i32
        %and3A_334 = arith.andi %ne3A_330, %ne3A_333 : i1
        %sub3A_335 = arith.constant 1 : i32
        %sub3A_336 = arith.subi %div3A_315, %sub3A_335 : i32
        %select_n3A_337 = arith.select %and3A_334, %sub3A_336, %div3A_315 : i32
        %sub3A_338 = arith.constant 2 : i32
        %sub3A_339 = arith.subi %add3A_231, %sub3A_338 : i32
        %jit3A_340 = arith.constant 128 : i32
        %eq3A_341 = arith.constant 0 : i32
        %eq3A_342 = arith.cmpi eq, %jit3A_340, %eq3A_341 : i32
        %jit3A_343 = arith.constant 1 : i32
        %select_n3A_344 = arith.select %eq3A_342, %jit3A_343, %jit3A_340 : i32
        %rem3A_345 = arith.remsi %sub3A_339, %select_n3A_344 : i32
        %ne3A_346 = arith.constant 0 : i32
        %ne3A_347 = arith.cmpi ne, %rem3A_345, %ne3A_346 : i32
        %lt3A_348 = arith.constant 0 : i32
        %lt3A_349 = arith.cmpi slt, %rem3A_345, %lt3A_348 : i32
        %lt3A_350 = arith.constant 0 : i32
        %lt3A_351 = arith.cmpi slt, %select_n3A_344, %lt3A_350 : i32
        %ne3A_352 = arith.xori %lt3A_349, %lt3A_351 : i1
        %and3A_353 = arith.andi %ne3A_352, %ne3A_347 : i1
        %add3A_354 = arith.addi %rem3A_345, %select_n3A_344 : i32
        %select_n3A_355 = arith.select %and3A_353, %add3A_354, %rem3A_345 : i32
        %mul3A_356 = arith.constant 128 : i32
        %mul3A_357 = arith.muli %select_n3A_355, %mul3A_356 : i32
        %dma_wait3A_358 = arith.constant 0 : i32
        %dma_wait3A_359 = arith.constant 0 : i32
        %dma_wait3A_360 = tpu.memref_slice %arg10[%dma_wait3A_358, %dma_wait3A_359] : memref<64x129xf32, #tpu.memory_space<vmem>> -> memref<64x128xf32, #tpu.memory_space<vmem>>
        %dma_wait3A_361 = arith.constant 0 : i32
        %dma_wait3A_362 = tpu.memref_slice %arg4[%select_n3A_337, %dma_wait3A_361, %mul3A_357] : memref<50x64x16384xf32, #tpu.memory_space<hbm>> -> memref<1x64x128xf32, #tpu.memory_space<hbm>>
        %dma_wait3A_363 = tpu.memref_squeeze %dma_wait3A_362 : memref<1x64x128xf32, #tpu.memory_space<hbm>> -> memref<64x128xf32, #tpu.memory_space<hbm>>
        %dma_wait3A_364 = arith.constant 0 : i32
        %dma_wait3A_365 = tpu.memref_slice %arg4[%select_n3A_337, %dma_wait3A_364, %mul3A_357] : memref<50x64x16384xf32, #tpu.memory_space<hbm>> -> memref<1x64x128xf32, #tpu.memory_space<hbm>>
        %dma_wait3A_366 = tpu.memref_squeeze %dma_wait3A_365 : memref<1x64x128xf32, #tpu.memory_space<hbm>> -> memref<64x128xf32, #tpu.memory_space<hbm>>
        %dma_wait3A_367 = arith.constant 0 : i32
        %dma_wait3A_368 = arith.constant 0 : i32
        %dma_wait3A_369 = tpu.memref_slice %arg10[%dma_wait3A_367, %dma_wait3A_368] : memref<64x129xf32, #tpu.memory_space<vmem>> -> memref<64x128xf32, #tpu.memory_space<vmem>>
        tpu.wait_dma2 semaphore(%arg16 : memref<!tpu.dma_semaphore, #tpu.memory_space<semaphore_mem>>) src(%dma_wait3A_369 : memref<64x128xf32, #tpu.memory_space<vmem>>) dst(%dma_wait3A_366 : memref<64x128xf32, #tpu.memory_space<hbm>>)
      } else {
      }
      %parallel_loop3A_296 = arith.constant 0 : i32
      %parallel_loop3A_297 = arith.constant 128 : i32
      %parallel_loop3A_298 = arith.constant 1 : i32
      scf.for %parallel_loop3A_312 = %parallel_loop3A_296 to %parallel_loop3A_297 step %parallel_loop3A_298  : i32 {
        %parallel_loop3A_313 = vector.broadcast %parallel_loop3A_312 : i32 to vector<16xi32>
        %parallel_loop3A_314 = arith.index_cast %parallel_loop3A_312 : i32 to index
        %parallel_loop3A_315 = arith.constant 0 : index
        %parallel_loop3A_316 = tpu.vector_load %arg8[%parallel_loop3A_314, %parallel_loop3A_315] {strides = array<i32>} : memref<128x64xf32, #tpu.memory_space<vmem>>, vector<16xf32>,
        %parallel_loop3A_317 = arith.constant 8.000000e+00 : f32
        %parallel_loop3A_318 = vector.broadcast %parallel_loop3A_317 : f32 to vector<16xf32>
        %parallel_loop3A_319 = arith.mulf %parallel_loop3A_316, %parallel_loop3A_318 : vector<16xf32>
        tpu.vector_store_idx %arg10[%add3A_5, %parallel_loop3A_313], %parallel_loop3A_319 : memref<64x129xf32, #tpu.memory_space<vmem>>[vector<16xi32>, vector<16xi32>], vector<16xf32>,
        %parallel_loop3A_320 = arith.index_cast %parallel_loop3A_312 : i32 to index
        %parallel_loop3A_321 = arith.constant 16 : index
        %parallel_loop3A_322 = tpu.vector_load %arg8[%parallel_loop3A_320, %parallel_loop3A_321] {strides = array<i32>} : memref<128x64xf32, #tpu.memory_space<vmem>>, vector<16xf32>,
        %parallel_loop3A_323 = arith.constant 8.000000e+00 : f32
        %parallel_loop3A_324 = vector.broadcast %parallel_loop3A_323 : f32 to vector<16xf32>
        %parallel_loop3A_325 = arith.mulf %parallel_loop3A_322, %parallel_loop3A_324 : vector<16xf32>
        tpu.vector_store_idx %arg10[%add3A_9, %parallel_loop3A_313], %parallel_loop3A_325 : memref<64x129xf32, #tpu.memory_space<vmem>>[vector<16xi32>, vector<16xi32>], vector<16xf32>,
        %parallel_loop3A_326 = arith.index_cast %parallel_loop3A_312 : i32 to index
        %parallel_loop3A_327 = arith.constant 32 : index
        %parallel_loop3A_328 = tpu.vector_load %arg8[%parallel_loop3A_326, %parallel_loop3A_327] {strides = array<i32>} : memref<128x64xf32, #tpu.memory_space<vmem>>, vector<16xf32>,
        %parallel_loop3A_329 = arith.constant 8.000000e+00 : f32
        %parallel_loop3A_330 = vector.broadcast %parallel_loop3A_329 : f32 to vector<16xf32>
        %parallel_loop3A_331 = arith.mulf %parallel_loop3A_328, %parallel_loop3A_330 : vector<16xf32>
        tpu.vector_store_idx %arg10[%add3A_13, %parallel_loop3A_313], %parallel_loop3A_331 : memref<64x129xf32, #tpu.memory_space<vmem>>[vector<16xi32>, vector<16xi32>], vector<16xf32>,
        %parallel_loop3A_332 = arith.index_cast %parallel_loop3A_312 : i32 to index
        %parallel_loop3A_333 = arith.constant 48 : index
        %parallel_loop3A_334 = tpu.vector_load %arg8[%parallel_loop3A_332, %parallel_loop3A_333] {strides = array<i32>} : memref<128x64xf32, #tpu.memory_space<vmem>>, vector<16xf32>,
        %parallel_loop3A_335 = arith.constant 8.000000e+00 : f32
        %parallel_loop3A_336 = vector.broadcast %parallel_loop3A_335 : f32 to vector<16xf32>
        %parallel_loop3A_337 = arith.mulf %parallel_loop3A_334, %parallel_loop3A_336 : vector<16xf32>
        tpu.vector_store_idx %arg10[%add3A_17, %parallel_loop3A_313], %parallel_loop3A_337 : memref<64x129xf32, #tpu.memory_space<vmem>>[vector<16xi32>, vector<16xi32>], vector<16xf32>,
      } {sc.loop_unroll_factor = 8 : i64, sc.parallel_access}
      %dma_start3A_299 = arith.constant 0 : i32
      %dma_start3A_300 = arith.constant 0 : i32
      %dma_start3A_301 = tpu.memref_slice %arg10[%dma_start3A_299, %dma_start3A_300] : memref<64x129xf32, #tpu.memory_space<vmem>> -> memref<64x128xf32, #tpu.memory_space<vmem>>
      %dma_start3A_302 = arith.constant 0 : i32
      %dma_start3A_303 = tpu.memref_slice %arg4[%select_n3A_255, %dma_start3A_302, %mul3A_273] : memref<50x64x16384xf32, #tpu.memory_space<hbm>> -> memref<1x64x128xf32, #tpu.memory_space<hbm>>
      %dma_start3A_304 = tpu.memref_squeeze %dma_start3A_303 : memref<1x64x128xf32, #tpu.memory_space<hbm>> -> memref<64x128xf32, #tpu.memory_space<hbm>>
      %dma_start3A_305 = arith.constant 0 : i32
      %dma_start3A_306 = tpu.memref_slice %arg4[%select_n3A_255, %dma_start3A_305, %mul3A_273] : memref<50x64x16384xf32, #tpu.memory_space<hbm>> -> memref<1x64x128xf32, #tpu.memory_space<hbm>>
      %dma_start3A_307 = tpu.memref_squeeze %dma_start3A_306 : memref<1x64x128xf32, #tpu.memory_space<hbm>> -> memref<64x128xf32, #tpu.memory_space<hbm>>
      %dma_start3A_308 = arith.constant 0 : i32
      %dma_start3A_309 = arith.constant 0 : i32
      %dma_start3A_310 = tpu.memref_slice %arg10[%dma_start3A_308, %dma_start3A_309] : memref<64x129xf32, #tpu.memory_space<vmem>> -> memref<64x128xf32, #tpu.memory_space<vmem>>
      tpu.enqueue_dma source(%dma_start3A_310 : memref<64x128xf32, #tpu.memory_space<vmem>>) target(%dma_start3A_307 : memref<64x128xf32, #tpu.memory_space<hbm>>) target_semaphore(%arg16 : memref<!tpu.dma_semaphore, #tpu.memory_space<semaphore_mem>>)
      %scan3A_311 = arith.constant 0 : i32
      scf.yield %scan3A_311 : i32
    }
    %scan3A_42 = arith.constant 100 : i32
    %add3A_43 = arith.constant 198 : i32
    %add3A_44 = arith.addi %mul3A_2, %add3A_43 : i32
    %jit3A = arith.constant 128 : i32
    %div3A = arith.divsi %add3A_44, %jit3A : i32
    %sign3A = arith.constant 0 : i32
    %sign3A_45 = arith.cmpi sgt, %add3A_44, %sign3A : i32
    %sign3A_46 = arith.extui %sign3A_45 : i1 to i32
    %sign3A_47 = arith.constant 0 : i32
    %sign3A_48 = arith.cmpi slt, %add3A_44, %sign3A_47 : i32
    %sign3A_49 = arith.extui %sign3A_48 : i1 to i32
    %sign3A_50 = arith.subi %sign3A_46, %sign3A_49 : i32
    %sign3A_51 = arith.constant 0 : i32
    %sign3A_52 = arith.cmpi sgt, %jit3A, %sign3A_51 : i32
    %sign3A_53 = arith.extui %sign3A_52 : i1 to i32
    %sign3A_54 = arith.constant 0 : i32
    %sign3A_55 = arith.cmpi slt, %jit3A, %sign3A_54 : i32
    %sign3A_56 = arith.extui %sign3A_55 : i1 to i32
    %sign3A_57 = arith.subi %sign3A_53, %sign3A_56 : i32
    %ne3A = arith.cmpi ne, %sign3A_50, %sign3A_57 : i32
    %rem3A = arith.remsi %add3A_44, %jit3A : i32
    %ne3A_58 = arith.constant 0 : i32
    %ne3A_59 = arith.cmpi ne, %rem3A, %ne3A_58 : i32
    %and3A = arith.andi %ne3A, %ne3A_59 : i1
    %sub3A = arith.constant 1 : i32
    %sub3A_60 = arith.subi %div3A, %sub3A : i32
    %select_n3A = arith.select %and3A, %sub3A_60, %div3A : i32
    %jit3A_61 = arith.constant 128 : i32
    %eq3A = arith.constant 0 : i32
    %eq3A_62 = arith.cmpi eq, %jit3A_61, %eq3A : i32
    %jit3A_63 = arith.constant 1 : i32
    %select_n3A_64 = arith.select %eq3A_62, %jit3A_63, %jit3A_61 : i32
    %rem3A_65 = arith.remsi %add3A_44, %select_n3A_64 : i32
    %ne3A_66 = arith.constant 0 : i32
    %ne3A_67 = arith.cmpi ne, %rem3A_65, %ne3A_66 : i32
    %lt3A = arith.constant 0 : i32
    %lt3A_68 = arith.cmpi slt, %rem3A_65, %lt3A : i32
    %lt3A_69 = arith.constant 0 : i32
    %lt3A_70 = arith.cmpi slt, %select_n3A_64, %lt3A_69 : i32
    %ne3A_71 = arith.xori %lt3A_68, %lt3A_70 : i1
    %and3A_72 = arith.andi %ne3A_71, %ne3A_67 : i1
    %add3A_73 = arith.addi %rem3A_65, %select_n3A_64 : i32
    %select_n3A_74 = arith.select %and3A_72, %add3A_73, %rem3A_65 : i32
    %mul3A_75 = arith.constant 128 : i32
    %mul3A_76 = arith.muli %select_n3A_74, %mul3A_75 : i32
    %dma_wait3A_77 = arith.constant 0 : i32
    %dma_wait3A_78 = arith.constant 0 : i32
    %dma_wait3A_79 = tpu.memref_slice %arg9[%dma_wait3A_77, %dma_wait3A_78] : memref<64x129xf32, #tpu.memory_space<vmem>> -> memref<64x128xf32, #tpu.memory_space<vmem>>
    %dma_wait3A_80 = arith.constant 0 : i32
    %dma_wait3A_81 = tpu.memref_slice %arg4[%select_n3A, %dma_wait3A_80, %mul3A_76] : memref<50x64x16384xf32, #tpu.memory_space<hbm>> -> memref<1x64x128xf32, #tpu.memory_space<hbm>>
    %dma_wait3A_82 = tpu.memref_squeeze %dma_wait3A_81 : memref<1x64x128xf32, #tpu.memory_space<hbm>> -> memref<64x128xf32, #tpu.memory_space<hbm>>
    %dma_wait3A_83 = arith.constant 0 : i32
    %dma_wait3A_84 = tpu.memref_slice %arg4[%select_n3A, %dma_wait3A_83, %mul3A_76] : memref<50x64x16384xf32, #tpu.memory_space<hbm>> -> memref<1x64x128xf32, #tpu.memory_space<hbm>>
    %dma_wait3A_85 = tpu.memref_squeeze %dma_wait3A_84 : memref<1x64x128xf32, #tpu.memory_space<hbm>> -> memref<64x128xf32, #tpu.memory_space<hbm>>
    %dma_wait3A_86 = arith.constant 0 : i32
    %dma_wait3A_87 = arith.constant 0 : i32
    %dma_wait3A_88 = tpu.memref_slice %arg9[%dma_wait3A_86, %dma_wait3A_87] : memref<64x129xf32, #tpu.memory_space<vmem>> -> memref<64x128xf32, #tpu.memory_space<vmem>>
    tpu.wait_dma2 semaphore(%arg15 : memref<!tpu.dma_semaphore, #tpu.memory_space<semaphore_mem>>) src(%dma_wait3A_88 : memref<64x128xf32, #tpu.memory_space<vmem>>) dst(%dma_wait3A_85 : memref<64x128xf32, #tpu.memory_space<hbm>>)
    %add3A_89 = arith.constant 199 : i32
    %add3A_90 = arith.addi %mul3A_2, %add3A_89 : i32
    %jit3A_91 = arith.constant 128 : i32
    %div3A_92 = arith.divsi %add3A_90, %jit3A_91 : i32
    %sign3A_93 = arith.constant 0 : i32
    %sign3A_94 = arith.cmpi sgt, %add3A_90, %sign3A_93 : i32
    %sign3A_95 = arith.extui %sign3A_94 : i1 to i32
    %sign3A_96 = arith.constant 0 : i32
    %sign3A_97 = arith.cmpi slt, %add3A_90, %sign3A_96 : i32
    %sign3A_98 = arith.extui %sign3A_97 : i1 to i32
    %sign3A_99 = arith.subi %sign3A_95, %sign3A_98 : i32
    %sign3A_100 = arith.constant 0 : i32
    %sign3A_101 = arith.cmpi sgt, %jit3A_91, %sign3A_100 : i32
    %sign3A_102 = arith.extui %sign3A_101 : i1 to i32
    %sign3A_103 = arith.constant 0 : i32
    %sign3A_104 = arith.cmpi slt, %jit3A_91, %sign3A_103 : i32
    %sign3A_105 = arith.extui %sign3A_104 : i1 to i32
    %sign3A_106 = arith.subi %sign3A_102, %sign3A_105 : i32
    %ne3A_107 = arith.cmpi ne, %sign3A_99, %sign3A_106 : i32
    %rem3A_108 = arith.remsi %add3A_90, %jit3A_91 : i32
    %ne3A_109 = arith.constant 0 : i32
    %ne3A_110 = arith.cmpi ne, %rem3A_108, %ne3A_109 : i32
    %and3A_111 = arith.andi %ne3A_107, %ne3A_110 : i1
    %sub3A_112 = arith.constant 1 : i32
    %sub3A_113 = arith.subi %div3A_92, %sub3A_112 : i32
    %select_n3A_114 = arith.select %and3A_111, %sub3A_113, %div3A_92 : i32
    %jit3A_115 = arith.constant 128 : i32
    %eq3A_116 = arith.constant 0 : i32
    %eq3A_117 = arith.cmpi eq, %jit3A_115, %eq3A_116 : i32
    %jit3A_118 = arith.constant 1 : i32
    %select_n3A_119 = arith.select %eq3A_117, %jit3A_118, %jit3A_115 : i32
    %rem3A_120 = arith.remsi %add3A_90, %select_n3A_119 : i32
    %ne3A_121 = arith.constant 0 : i32
    %ne3A_122 = arith.cmpi ne, %rem3A_120, %ne3A_121 : i32
    %lt3A_123 = arith.constant 0 : i32
    %lt3A_124 = arith.cmpi slt, %rem3A_120, %lt3A_123 : i32
    %lt3A_125 = arith.constant 0 : i32
    %lt3A_126 = arith.cmpi slt, %select_n3A_119, %lt3A_125 : i32
    %ne3A_127 = arith.xori %lt3A_124, %lt3A_126 : i1
    %and3A_128 = arith.andi %ne3A_127, %ne3A_122 : i1
    %add3A_129 = arith.addi %rem3A_120, %select_n3A_119 : i32
    %select_n3A_130 = arith.select %and3A_128, %add3A_129, %rem3A_120 : i32
    %mul3A_131 = arith.constant 128 : i32
    %mul3A_132 = arith.muli %select_n3A_130, %mul3A_131 : i32
    %dma_wait3A_133 = arith.constant 0 : i32
    %dma_wait3A_134 = arith.constant 0 : i32
    %dma_wait3A_135 = tpu.memref_slice %arg10[%dma_wait3A_133, %dma_wait3A_134] : memref<64x129xf32, #tpu.memory_space<vmem>> -> memref<64x128xf32, #tpu.memory_space<vmem>>
    %dma_wait3A_136 = arith.constant 0 : i32
    %dma_wait3A_137 = tpu.memref_slice %arg4[%select_n3A_114, %dma_wait3A_136, %mul3A_132] : memref<50x64x16384xf32, #tpu.memory_space<hbm>> -> memref<1x64x128xf32, #tpu.memory_space<hbm>>
    %dma_wait3A_138 = tpu.memref_squeeze %dma_wait3A_137 : memref<1x64x128xf32, #tpu.memory_space<hbm>> -> memref<64x128xf32, #tpu.memory_space<hbm>>
    %dma_wait3A_139 = arith.constant 0 : i32
    %dma_wait3A_140 = tpu.memref_slice %arg4[%select_n3A_114, %dma_wait3A_139, %mul3A_132] : memref<50x64x16384xf32, #tpu.memory_space<hbm>> -> memref<1x64x128xf32, #tpu.memory_space<hbm>>
    %dma_wait3A_141 = tpu.memref_squeeze %dma_wait3A_140 : memref<1x64x128xf32, #tpu.memory_space<hbm>> -> memref<64x128xf32, #tpu.memory_space<hbm>>
    %dma_wait3A_142 = arith.constant 0 : i32
    %dma_wait3A_143 = arith.constant 0 : i32
    %dma_wait3A_144 = tpu.memref_slice %arg10[%dma_wait3A_142, %dma_wait3A_143] : memref<64x129xf32, #tpu.memory_space<vmem>> -> memref<64x128xf32, #tpu.memory_space<vmem>>
    tpu.wait_dma2 semaphore(%arg16 : memref<!tpu.dma_semaphore, #tpu.memory_space<semaphore_mem>>) src(%dma_wait3A_144 : memref<64x128xf32, #tpu.memory_space<vmem>>) dst(%dma_wait3A_141 : memref<64x128xf32, #tpu.memory_space<hbm>>)
    return
  }
}

</mosaic_0001>

<sc_bundles>
// kernel: kernel.3.cloned.1.call-start
scs
__scs_entry_jumppad:
0x0: {  	(pc) =	sbr.rel $0x88, $3  }
0x1: {  	(tag) =	ssettag $0x0;
	lr =	simm.s32 $0x1  }
0x2: {  	[smem:$0x3F9F] =	sst lr;
	_ =	strace $0xD0000000  }
0x3: {  	_ = 	snop  }
0x4: {  	_ = 	snop  }
0x5: {  	_ = 	snop  }
0x6: {  	_ = 	snop  }
0x7: {  	_ = 	snop  }
__scs_overlays_trampoline_lowered:
0x8: {  	[smem:$0x3FAE] =	sst s0  }
0x9: {  	[smem:$0x3FAF] =	sst s1  }
0xa: {  	[smem:$0x3FB0] =	sst s2  }
0xb: {  	[smem:$0x3FB1] =	sst s3  }
0xc: {  	[smem:$0x3FB2] =	sst s4  }
0xd: {  	[smem:$0x3FB3] =	sst s5  }
0xe: {  	[smem:$0x3FB4] =	sst s6  }
0xf: {  	[smem:$0x3FB5] =	sst s7  }
0x10: {  	[smem:$0x3FB6] =	sst s8  }
0x11: {  	[smem:$0x3FB7] =	sst s9;
	s0 =	simm.s32 @!p0 $0x0  }
0x12: {  	s1 =	sld [smem:$0x3F9D];
	s0 =	simm.s32 @p0 $0x1  }
0x13: {  	[smem:$0x3FB8] =	sst s0;
	s0 =	simm.s32 @!p1 $0x0  }
0x14: {  	s2 =	sld [smem:$0x3F9C];
	s0 =	simm.s32 @p1 $0x1  }
0x15: {  	[smem:$0x3FB9] =	sst s0;
	s0 =	simm.s32 @!p2 $0x0  }
0x16: {  	s3 =	sld [smem:$0x3FDB];
	s0 =	simm.s32 @p2 $0x1  }
0x17: {  	s4 =	simm.s32 $0x1BF5;
	[smem:$0x3FBB] =	sst s0  }
0x18: {  	s0 =	sld [smem:$0x3F9E];
	_ =	swait.ge [sflag:s4], $0x0  }
0x19: {  	s7 =	sld [smem:$0x3F9F]  }
0x1a: {  	s8 =	sadd.s32 $0xFFFFE003, lr  }
0x1b: {  	s9 =	sadd.s32 $0xFFFFFEF7, lr;
	s5 =	simm.s32 $0xFFFFFFFF;
	p2 =	slt.u32 s8, $0xFFFFF086  }
0x1c: {  	p1 =	slt.u32 s9, $0xF7A;
	s5 =	simm.s32 @!p2 $0x0  }
0x1d: {  	s5 =	simm.s32 @p1 $0x1;
	p0 =	seq.s32 s7, s2  }
0x1e: {  	s7 =	smul.u32 @!p0 $0xF7A, s2;
	p2 =	seq.s32 @!p0 s5, $0x0  }
0x1f: {  	s9 =	smul.u32 $0xF7A, s1;
	s8 =	simm.s32 @!p0 $0x1BF5;
	p2 =	por !p2, p0  }
0x20: {  	[sflag:s8] =	ssyncset.s32 @!p0 $0xFFFFF086;
	s6 =	sadd.s32 @!p0 s3, s7;
	s7 =	simm.s32 @!p0 $0x108  }
0x21: {  	s3 =	sadd.s32 s3, s9;
	s6 =	sadd.s32 @!p0 $0x88, s6;
	s7 =	simm.s32 @p2 $0x1082  }
0x22: {  	[simem:s7], [sflag:s8] =	dma.local @!p0 [hbm:s6], $0xF7A  }
0x23: {  	s9 =	sor.u32 $0xD0000000, s2;
	s6 =	simm.s32 $0x108;
	_ =	swait.ge @!p0 [sflag:s8], $0x0  }
0x24: {  	s3 =	sadd.s32 $0x88, s3;
	s6 =	simm.s32 @!p1 $0x1082;
	[sflag:s4] =	ssyncset.s32 $0xFFFFF086  }
0x25: {  	[simem:s6], [sflag:s4] =	dma.local [hbm:s3], $0xF7A  }
0x26: {  	[smem:$0x3F9F] =	sst s1;
	(tag) =	ssettag s2;
	_ =	strace s9  }
0x27: {  	s1 =	sld [smem:$0x3FAF]  }
0x28: {  	s2 =	sld [smem:$0x3FB0]  }
0x29: {  	s4 =	sld [smem:$0x3FB2]  }
0x2a: {  	p0 =	seq.s32 s5, $0x0;
	s5 =	sld [smem:$0x3FB3]  }
0x2b: {  	s6 =	sld [smem:$0x3FB4]  }
0x2c: {  	s7 =	sld [smem:$0x3FB5]  }
0x2d: {  	s3 =	simm.s32 $0x108;
	s8 =	sld [smem:$0x3FB6]  }
0x2e: {  	s3 =	simm.s32 @!p0 $0x1082;
	s9 =	sld [smem:$0x3FB7]  }
0x2f: {  	lr =	sadd.s32 s0, s3;
	s0 =	sld [smem:$0x3FAE]  }
0x30: {  	s3 =	sld [smem:$0x3FB1]  }
0x31: {  	[smem:$0x3FBA] =	sst s10  }
0x32: {  	s10 =	sld [smem:$0x3FB8];
	_ =	sdelay $0x3  }
0x33: {  	p0 =	seq.s32 s10, $0x1;
	s10 =	sld [smem:$0x3FBA];
	_ =	sdelay $0x3  }
0x34: {  	[smem:$0x3FBA] =	sst s10  }
0x35: {  	s10 =	sld [smem:$0x3FB9];
	_ =	sdelay $0x3  }
0x36: {  	p1 =	seq.s32 s10, $0x1;
	s10 =	sld [smem:$0x3FBA];
	_ =	sdelay $0x3  }
0x37: {  	[smem:$0x3FBA] =	sst s10  }
0x38: {  	s10 =	sld [smem:$0x3FBB]  }
0x39: {  	_ = 	snop;
	(pc) =	sbr.ind lr, $3  }
0x3a: {  	_ = 	snop  }
0x3b: {  	_ = 	snop  }
0x3c: {  	p2 =	seq.s32 s10, $0x1;
	s10 =	sld [smem:$0x3FBA]  }
0x3d: {  	_ =	shalt  }
0x3e: {  	_ =	shalt  }
0x3f: {  	_ =	shalt  }
0x40: {  	_ =	shalt  }
0x41: {  	_ =	shalt  }
0x42: {  	_ =	shalt  }
0x43: {  	_ =	shalt  }
0x44: {  	_ =	shalt  }
0x45: {  	_ =	shalt  }
0x46: {  	_ =	shalt  }
0x47: {  	_ =	shalt  }
0x48: {  	_ =	shalt  }
0x49: {  	_ =	shalt  }
0x4a: {  	_ =	shalt  }
0x4b: {  	_ =	shalt  }
0x4c: {  	_ =	shalt  }
0x4d: {  	_ =	shalt  }
0x4e: {  	_ =	shalt  }
0x4f: {  	_ =	shalt  }
0x50: {  	_ =	shalt  }
0x51: {  	_ =	shalt  }
0x52: {  	_ =	shalt  }
0x53: {  	_ =	shalt  }
0x54: {  	_ =	shalt  }
0x55: {  	_ =	shalt  }
0x56: {  	_ =	shalt  }
0x57: {  	_ =	shalt  }
0x58: {  	_ =	shalt  }
0x59: {  	_ =	shalt  }
0x5a: {  	_ =	shalt  }
0x5b: {  	_ =	shalt  }
0x5c: {  	_ =	shalt  }
0x5d: {  	_ =	shalt  }
0x5e: {  	_ =	shalt  }
0x5f: {  	_ =	shalt  }
0x60: {  	_ =	shalt  }
0x61: {  	_ =	shalt  }
0x62: {  	_ =	shalt  }
0x63: {  	_ =	shalt  }
0x64: {  	_ =	shalt  }
0x65: {  	_ =	shalt  }
0x66: {  	_ =	shalt  }
0x67: {  	_ =	shalt  }
0x68: {  	_ =	shalt  }
0x69: {  	_ =	shalt  }
0x6a: {  	_ =	shalt  }
0x6b: {  	_ =	shalt  }
0x6c: {  	_ =	shalt  }
0x6d: {  	_ =	shalt  }
0x6e: {  	_ =	shalt  }
0x6f: {  	_ =	shalt  }
0x70: {  	_ =	shalt  }
0x71: {  	_ =	shalt  }
0x72: {  	_ =	shalt  }
0x73: {  	_ =	shalt  }
0x74: {  	_ =	shalt  }
0x75: {  	_ =	shalt  }
0x76: {  	_ =	shalt  }
0x77: {  	_ =	shalt  }
0x78: {  	_ =	shalt  }
0x79: {  	_ =	shalt  }
0x7a: {  	_ =	shalt  }
0x7b: {  	_ =	shalt  }
0x7c: {  	_ =	shalt  }
0x7d: {  	_ =	shalt  }
0x7e: {  	_ =	shalt  }
0x7f: {  	_ =	shalt  }
0x80: {  	_ =	shalt  }
0x81: {  	_ =	shalt  }
0x82: {  	_ =	shalt  }
0x83: {  	_ =	shalt  }
0x84: {  	_ =	shalt  }
0x85: {  	_ =	shalt  }
0x86: {  	_ =	shalt  }
0x87: {  	_ =	shalt  }
.Lfunc_end0:
.L_simem_size_0:
called_computation_lowered:
.L_overlay_start_0:
0x88: {  	s2 =	sld [smem:$0x3FD9]  }
0x89: {  	s3 =	sld [smem:$0x3FFE];
	_ =	sdelay $0x1  }
0x8a: {  	s1 =	srdreg.scid  }
0x8b: {  	s0 =	sand.u32 $0x1, s1  }
0x8c: {  	s17 =	sshll.u32 s0, $0xA;
	s2 =	sadd.s32 s3, s2  }
0x8d: {  	s2 =	sadd.s32 s2, s17  }
0x8e: {  	[smem:$0x3FC6] =	sst s2  }
0x8f: {  	_ = 	snop  }
0x90: {  	s2 =	sld [smem:$0x3FD0];
	(tm) =	ssettm $0x1  }
0x91: {  	s18 =	sld [smem:$0x3FFB];
	_ =	sdelay $0x3  }
0x92: {  	_ =	strace s18  }
0x93: {  	s3 =	sld [smem:$0x3FFC];
	_ =	sdelay $0x3  }
0x94: {  	_ =	strace s3  }
0x95: {  	s3 =	sld [smem:$0x3FFD];
	_ =	sdelay $0x3  }
0x96: {  	_ =	strace s3  }
0x97: {  	_ =	strace $0x8FFFFFFF  }
0x98: {  	s19 =	sld [smem:$0x3FDB];
	_ =	sdelay $0x1  }
0x99: {  	s4 =	simm.s32 $_scs_section_size  }
0x9a: {  	s5 =	simm.s32 $_size__tile_overlayer_lowered;
	s6 =	simm.s32 $_tile_overlayer_lowered  }
0x9b: {  	s22 =	simm.s32 $0x1BFF;
	s21 =	sshll.u32 s6, $0x1;
	s3 =	sadd.s32 s4, s19  }
0x9c: {  	s7 =	simm.s32 $0x0;
	s20 =	sshll.u32 s5, $0x1;
	s5 =	sadd.s32 s21, s3  }
0x9d: {  	[timem:s7], [sflag:s22] =	dma.local [hbm:s5], s20  }
0x9e: {  	_ =	swait.ge [sflag:s22], s20  }
0x9f: {  	s4 =	ssub.s32 $0x0, s20;
	[sflag:s22] =	ssyncset.done $0x0  }
0xa0: {  	[sflag:s22] =	ssyncadd.s32 s4;
	_ =	sdelay $0x1  }
0xa1: {  	s23 =	simm.s32 $0x1B8B  }
0xa2: {  	_ =	swait.ge [sflag:s23], $0x1  }
0xa3: {  	[sflag:s23] =	ssyncset.done $0x0  }
0xa4: {  	s25 =	simm.s32 $0x1B8E;
	s24 =	sld [smem:$0x3FFE];
	[sflag:s23] =	ssyncadd.s32 $0xFFFFFFFF  }
0xa5: {  	s26 =	simm.s32 $execute0_lowered;
	[smem:$0x3FD2] =	sst s25  }
0xa6: {  	s5 =	sshll.u32 s26, $0x1;
	_ =	strace $0x80000046;
	[dreg:$0x1] =	wrdreg $0xFFFFFFFF  }
0xa7: {  	s28 =	simm.s32 $_size_execute0_lowered;
	s3 =	sadd.s32 s3, s5;
	[dreg:$0x0] =	wrdreg $0x0  }
0xa8: {  	s5 =	sshll.u32 s28, $0x1;
	[dreg:$0x2] =	wrdreg s3  }
0xa9: {  	[dreg:$0x3] =	wrdreg s5  }
0xaa: {  	[dreg:$0x4] =	wrdreg $0xC0  }
0xab: {  	_ =	task [dreg:s7], $0x5FFFF  }
0xac: {  	[dreg:$0x1] =	wrdreg $0xFFFFFFFF  }
0xad: {  	[dreg:$0x0] =	wrdreg $0x60  }
0xae: {  	[dreg:$0x2] =	wrdreg s2  }
0xaf: {  	[dreg:$0x3] =	wrdreg s24  }
0xb0: {  	[dreg:$0x4] =	wrdreg $0x9  }
0xb1: {  	_ =	task.clear_ibuf [dreg:s7], $0x5FFFF;
	_ =	strace $0x90000046  }
0xb2: {  	s29 =	simm.s32 $0x9;
	_ =	strace $0x80000048  }
0xb3: {  	_ =	swait.ge [sflag:s29], $0x1  }
0xb4: {  	[sflag:s29] =	ssyncadd.s32 $0xFFFFFFFF  }
0xb5: {  	_ =	strace $0x90000048  }
0xb6: {  	_ =	sfence  }
0xb7: {  	s30 =	sld [smem:$0x0];
	_ =	sdelay $0x2  }
0xb8: {  	s31 =	sshll.u32 s1, $0xD;
	s1 =	sshrl.u32 s1, $0x2  }
0xb9: {  	s3 =	sand.u32 $0x4000, s31;
	s1 =	sadd.s32 s1, s30  }
0xba: {  	s0 =	sor.u32 s3, s0;
	s1 =	sshll.u32 s1, $0x11  }
0xbb: {  	s0 =	sor.u32 s1, s0  }
0xbc: {  	s0 =	sadd.s32 $0x8F2B, s0  }
0xbd: {  	[sflag:s0] =	ssyncadd.remote.s32 $0x1  }
0xbe: {  	_ =	sfence.sel $0xFFFF  }
0xbf: {  	[dreg:$0x0] =	wrdreg $0xFFFFFFFF;
	(pc) =	sbr.abs _section_cstart, $3  }
0xc0: {  	[dreg:$0x1] =	wrdreg $0xFFFFFFFF  }
0xc1: {  	_ =	task.clear_ibuf [dreg:s7], $0x2FFFF;
	_ =	strace $0x9FFFFFFF  }
0xc2: {  	(tm) =	ssettm $0x7FFFFFFF  }
0xc3: {  	_ =	shalt  }
tec
execute0_lowered:
.L_overlay_start_1:
0x0: {  	(tag) =	ssettag $0x1  }
0x1: {  	v0 =	vlaneseq.u32;
	s1 =	rddreg [dreg:$0x0]  }
0x2: {  	s7 =	rddreg [dreg:$0x1];
	s3 =	simm.s32 $0x0;
	v4 =	vmul.u32 $0x88, v0  }
0x3: {  	s2 =	srdreg.scid;
	[smem:$0x7FF] =	sst s3  }
0x4: {  	s5 =	sand.u32 $0x1, s2;
	s2 =	rddreg [dreg:$0x2];
	_ =	strace $0x80000047;
	v21 =	vadd.s32 $0x1982, v4;
	[tilespmem:$0x1FF10] =	vst v4  }
0x5: {  	v54 =	vadd.s32 $0x1983, v4;
	[tilespmem:$0x1FEC0] =	vst v21  }
0x6: {  	v29 =	vadd.s32 $0x1984, v4;
	[tilespmem:$0x1FED0] =	vst v54  }
0x7: {  	v25 =	vadd.s32 $0x1985, v4;
	[tilespmem:$0x1FEE0] =	vst v29  }
0x8: {  	v13 =	vadd.s32 $0x1986, v4;
	[tilespmem:$0x1FEF0] =	vst v25  }
0x9: {  	v6 =	vor.u32 $0x1, v4;
	[tilespmem:$0x1FF00] =	vst v13  }
0xa: {  	v10 =	vor.u32 $0x2, v4;
	[tilespmem:$0x1FF20] =	vst v6  }
0xb: {  	v14 =	vor.u32 $0x3, v4;
	[tilespmem:$0x1FF30] =	vst v10  }
0xc: {  	v18 =	vor.u32 $0x4, v4;
	[tilespmem:$0x1FF40] =	vst v14  }
0xd: {  	v24 =	vor.u32 $0x5, v4;
	[tilespmem:$0x1FF50] =	vst v18  }
0xe: {  	v30 =	vor.u32 $0x7, v4;
	[tilespmem:$0x1FF60] =	vst v24  }
0xf: {  	s0 =	stileid.u32;
	s12 =	simm.s32 $0x1;
	s13 =	simm.s32 $0x80;
	v28 =	vadd.s32 $0x887, v4;
	[tilespmem:$0x1FF70] =	vst v30  }
0x10: {  	s14 =	simm.s32 $0x100;
	s15 =	simm.s32 $0x2;
	s16 =	simm.s32 $0x2100;
	v3 =	vadd.s32 $0x1987, v4;
	[tilespmem:$0x1FF80] =	vst v28  }
0x11: {  	v1 =	vimm.s32 $0x0;
	vm0 =	vcmask $0x300;
	s17 =	simm.s32 $0x3;
	s18 =	simm.s32 $0x4100;
	s4 =	sshll.u32 s0, $0x1;
	v0 =	vadd.s32 $0x880, v4;
	[tilespmem:$0x1FF90] =	vst v3  }
0x12: {  	s19 =	simm.s32 $0x4;
	s21 =	simm.s32 $0x6300;
	v1 =	vsel vm0, $0x3, v1;
	s6 =	sor.u32 s5, s4;
	v2 =	vadd.s32 $0x1100, v4;
	v22 =	vadd.s32 $0x1105, v4;
	[tilespmem:$0x1FFA0] =	vst v0  }
0x13: {  	s20 =	simm.s32 $0x6;
	s4 =	sadd.s32 $0xF42A00, s7;
	v5 =	vadd.s32 $0x1980, v4;
	s8 =	smul.u32 $0xC80, s6;
	v7 =	vadd.s32 $0x881, v4;
	v26 =	vor.u32 $0x6, v4;
	[tilespmem:$0x1FFB0] =	vst v22  }
0x14: {  	s22 =	simm.s32 $0x5;
	s9 =	ssub.s32 $0x2, s5;
	v8 =	vadd.s32 $0x1101, v4;
	v9 =	vadd.s32 $0x1981, v4;
	s5 =	smul.u32 $0xC8, s6;
	v31 =	vadd.s32 $0x1106, v4;
	[tilespmem:$0x1FFC0] =	vst v26  }
0x15: {  	s23 =	simm.s32 $0x0;
	s7 =	sadd.s32 $0x600, s7;
	v11 =	vadd.s32 $0x882, v4;
	v12 =	vadd.s32 $0x1102, v4;
	s10 =	sshrl.u32 s9, $0x1;
	v15 =	vadd.s32 $0x883, v4;
	[tilespmem:$0x1FFD0] =	vst v31  }
0x16: {  	v16 =	vadd.s32 $0x1103, v4;
	v19 =	vadd.s32 $0x884, v4;
	v20 =	vadd.s32 $0x1104, v4;
	s11 =	ssub.s32 s9, s10;
	[tilespmem:$0x1FFE0] =	vst v9;
	s6 =	sadd.s32 s1, s8;
	s9 =	sor.u32 $0x2, s5  }
0x17: {  	v23 =	vadd.s32 $0x885, v4;
	v27 =	vadd.s32 $0x886, v4;
	v32 =	vadd.s32 $0x1107, v4;
	[tilespmem:$0x1FFF0] =	vst v5;
	s10 =	sor.u32 $0x3, s5;
	s11 =	smax.u32 s11, $0x1;
	s8 =	sadd.s32 $0x10, s6  }
.LBB2_1:
0x18: {  	[tilespmem:s3], [sflag:$0x1] =	stream.linear.gather [hbm4b:s6+s3], $0x80, $0x38;
	[tilespmem:$0x8500] =	vst v63  }
0x19: {  	_ =	swait.ge [sflag:s12], $0x80  }
0x1a: {  	[sflag:s12] =	ssyncset.done $0x0  }
0x1b: {  	[sflag:s12] =	ssyncadd.s32 $0xFFFFFF80  }
0x1c: {  	[tilespmem:s14], [sflag:$0x3] =	stream.indirect.gather [hbm4b:s4+s13], $0x40, s3, s13, $0xb8;
	[tilespmem:$0x8500] =	vst v63  }
0x1d: {  	s24 =	simm.s32 $0x0  }
0x1e: {  	[tilespmem:s13], [sflag:$0x2] =	stream.linear.gather [hbm4b:s8+s3], $0x80, $0x38;
	[tilespmem:$0x8500] =	vst v63  }
.LBB2_2:
0x1f: {  	_ =	swait.ge [sflag:s15], $0x80;
	p0 =	seq.s32 s24, $0x63  }
0x20: {  	[sflag:s15] =	ssyncset.done $0x0;
	p1 =	seq.s32 @!p0 s24, $0x0  }
0x21: {  	s25 =	sshll.u32 s24, $0x1;
	[sflag:s15] =	ssyncadd.s32 $0xFFFFFF80;
	p1 =	por p0, !p1  }
0x22: {  	[tilespmem:s16], [sflag:$0x4] =	stream.indirect.gather [hbm4b:s4+s13], $0x40, s13, s13, $0xb8;
	[tilespmem:$0x8500] =	vst v63  }
.Ltmp0:
0x23: {  	s26 =	sadd.s32 @!p0 s25, s9;
	(pc) =	sbr.rel @!p1 .LBB2_3-.Ltmp0, $4  }
0x24: {  	s26 =	sshll.u32 @!p0 s26, $0x4;
	_ =	swait.ge [sflag:s17], $0x2000  }
0x25: {  	s26 =	sand.u32 @!p0 $0x1FFFFFE0, s26;
	[sflag:s17] =	ssyncset.done $0x0  }
0x26: {  	s28 =	simm.s32 @!p0 $0x0;
	s26 =	sadd.s32 @!p0 s1, s26;
	[sflag:s17] =	ssyncadd.s32 $0xFFFFE000  }
0x27: {  	v21 =	vmov v25;
	v13 =	vmov v54;
	[tilespmem:s28], [sflag:$0x1] =	stream.linear.gather @!p0 [hbm4b:s26+s28], $0x80, $0x38;
	[tilespmem:$0x8500] =	vst v63  }
.Ltmp1:
0x28: {  	(pc) =	sbr.rel .LBB2_5-.Ltmp1, $4  }
0x29: {  	_ = 	snop  }
0x2a: {  	_ =	swait.ge [sflag:s22], $0x2000  }
0x2b: {  	[sflag:s22] =	ssyncset.done $0x0  }
0x2c: {  	p0 =	por $0x0, $0x0;
	[sflag:s22] =	ssyncadd.s32 $0xFFFFE000  }
.LBB2_3:
0x2d: {  	p0 =	por @!p0 $0x1, $0x1  }
.LBB2_5:
0x2e: {  	s26 =	simm.s32 $0x0;
	s28 =	simm.s32 $0x2  }
0x2f: {  	s29 =	simm.s32 $0x3;
	v33 =	vmov s26;
	s26 =	simm.s32 $0x1;
	v35 =	vmov s28  }
0x30: {  	v36 =	vmov s29;
	s28 =	simm.s32 $0x5;
	s29 =	simm.s32 $0x6;
	v33 =	vshrl.u32 v33, $0x3;
	v34 =	vmov s26  }
0x31: {  	s26 =	simm.s32 $0x4;
	v38 =	vmov s28;
	v39 =	vmov s29;
	v35 =	vshrl.u32 v35, $0x3  }
0x32: {  	v36 =	vshrl.u32 v36, $0x3;
	v37 =	vmov s26;
	v33 =	vshll.u32 v33, v1  }
0x33: {  	s29 =	simm.s32 $0x200;
	s26 =	simm.s32 $0x7;
	v34 =	vshrl.u32 v34, $0x3;
	v38 =	vshrl.u32 v38, $0x3;
	v42 =	vshrl.u32 v39, $0x3  }
0x34: {  	v61 =	vld [tilespmem:s29+$0xC0];
	v35 =	vshll.u32 v35, v1;
	v36 =	vshll.u32 v36, v1;
	v40 =	vmov s26  }
0x35: {  	v43 =	vld [tilespmem:s29+$0xFFFFFF00];
	v37 =	vshrl.u32 v37, $0x3;
	v17 =	vbroadcast v33, $0x0;
	v34 =	vshll.u32 v34, v1  }
0x36: {  	v45 =	vld [tilespmem:s29+$0xFFFFFF40];
	v40 =	vshrl.u32 v40, $0x3;
	v44 =	vshll.u32 v37, v1;
	v25 =	vbroadcast v34, $0x0  }
0x37: {  	v47 =	vld [tilespmem:s29+$0xFFFFFF80];
	v37 =	vbroadcast v35, $0x0;
	v40 =	vshll.u32 v40, v1;
	v63 =	vadd.s32 v4, v17  }
0x38: {  	v49 =	vld [tilespmem:s29+$0xFFFFFFC0];
	v62 =	vshll.u32 v38, v1;
	v29 =	vbroadcast v40, $0x0;
	v48 =	vadd.s32 v6, v25  }
0x39: {  	v51 =	vld [tilespmem:s29+$0x0];
	v42 =	vshll.u32 v42, v1;
	v36 =	vbroadcast v36, $0x0;
	v50 =	vadd.s32 v10, v37  }
0x3a: {  	v53 =	vld [tilespmem:s29+$0x40];
	v35 =	vbroadcast v44, $0x0;
	v43 =	vmul.f32 $8.000000000e+00, v43;
	v46 =	vadd.s32 v30, v29  }
0x3b: {  	v55 =	vld [tilespmem:s29+$0x80];
	v34 =	vbroadcast v42, $0x0;
	v52 =	vadd.s32 v14, v36;
	v45 =	vmul.f32 $8.000000000e+00, v45  }
0x3c: {  	v33 =	vbroadcast v62, $0x0;
	v54 =	vadd.s32 v18, v35;
	v59 =	vmul.f32 $8.000000000e+00, v47;
	[tilespmem:v63+s18+$0x0] =	vst.idx.msk $0xffff, v43  }
0x3d: {  	v57 =	vmul.f32 $8.000000000e+00, v61;
	v47 =	vadd.s32 v26, v34;
	v60 =	vld [tilespmem:s29+$0xFFFFFF10];
	[tilespmem:v48+s18+$0x0] =	vst.idx.msk $0xffff, v45  }
0x3e: {  	s26 =	simm.s32 $0x8;
	v61 =	vmul.f32 $8.000000000e+00, v49;
	v43 =	vadd.s32 v24, v33;
	[tilespmem:v50+s18+$0x0] =	vst.idx.msk $0xffff, v59;
	v49 =	vld [tilespmem:s29+$0xFFFFFF50]  }
0x3f: {  	v58 =	vmov s26;
	v56 =	vadd.s32 v0, v17;
	v62 =	vmul.f32 $8.000000000e+00, v51;
	[tilespmem:v46+s18+$0x0] =	vst.idx.msk $0xffff, v57;
	v57 =	vld [tilespmem:s29+$0xFFFFFF90]  }
0x40: {  	v38 =	vmul.f32 $8.000000000e+00, v55;
	[tilespmem:v52+s18+$0x0] =	vst.idx.msk $0xffff, v61;
	v63 =	vmul.f32 $8.000000000e+00, v53;
	v53 =	vadd.s32 v7, v25;
	v44 =	vld [tilespmem:s29+$0xD0]  }
0x41: {  	v42 =	vshrl.u32 v58, $0x3;
	v55 =	vadd.s32 v11, v37;
	v58 =	vld [tilespmem:s29+$0xFFFFFFD0];
	[tilespmem:v54+s18+$0x0] =	vst.idx.msk $0xffff, v62  }
0x42: {  	v50 =	vadd.s32 v28, v29;
	[tilespmem:v47+s18+$0x0] =	vst.idx.msk $0xffff, v38;
	v59 =	vld [tilespmem:s29+$0x10];
	v45 =	vmul.f32 $8.000000000e+00, v60  }
0x43: {  	v46 =	vadd.s32 v15, v36;
	v61 =	vld [tilespmem:s29+$0x90];
	[tilespmem:v43+s18+$0x0] =	vst.idx.msk $0xffff, v63;
	v39 =	vmul.f32 $8.000000000e+00, v49  }
0x44: {  	v60 =	vld [tilespmem:s29+$0x50];
	v49 =	vadd.s32 v19, v35;
	[tilespmem:v56+s18+$0x0] =	vst.idx.msk $0xffff, v45;
	v63 =	vmul.f32 $8.000000000e+00, v57  }
0x45: {  	s26 =	simm.s32 $0x9;
	v43 =	vmul.f32 $8.000000000e+00, v44;
	v56 =	vld [tilespmem:s29+$0xFFFFFF20];
	[tilespmem:v53+s18+$0x0] =	vst.idx.msk $0xffff, v39  }
0x46: {  	v48 =	vmov s26;
	v45 =	vadd.s32 v23, v33;
	v39 =	vmul.f32 $8.000000000e+00, v58;
	v57 =	vld [tilespmem:s29+$0xFFFFFF60];
	[tilespmem:v55+s18+$0x0] =	vst.idx.msk $0xffff, v63  }
0x47: {  	s26 =	simm.s32 $0xA;
	v53 =	vadd.s32 v27, v34;
	[tilespmem:v50+s18+$0x0] =	vst.idx.msk $0xffff, v43;
	v43 =	vshll.u32 v42, v1;
	v42 =	vmul.f32 $8.000000000e+00, v59;
	v59 =	vld [tilespmem:s29+$0xFFFFFFA0]  }
0x48: {  	v51 =	vmov s26;
	s26 =	simm.s32 $0xB;
	v62 =	vadd.s32 v8, v25;
	[tilespmem:v46+s18+$0x0] =	vst.idx.msk $0xffff, v39;
	v50 =	vld [tilespmem:s29+$0xE0]  }
0x49: {  	v52 =	vmov s26;
	s26 =	simm.s32 $0xC;
	v46 =	vmul.f32 $8.000000000e+00, v60;
	v63 =	vld [tilespmem:s29+$0xFFFFFFE0];
	[tilespmem:v49+s18+$0x0] =	vst.idx.msk $0xffff, v42;
	v49 =	vadd.s32 v12, v37  }
0x4a: {  	v54 =	vmov s26;
	s26 =	simm.s32 $0xD;
	v47 =	vmul.f32 $8.000000000e+00, v61;
	v55 =	vadd.s32 v32, v29;
	v39 =	vld [tilespmem:s29+$0x20]  }
0x4b: {  	v44 =	vmov s26;
	v58 =	vadd.s32 v2, v17;
	[tilespmem:v45+s18+$0x0] =	vst.idx.msk $0xffff, v46;
	v46 =	vmul.f32 $8.000000000e+00, v57  }
0x4c: {  	v61 =	vshrl.u32 v44, $0x3;
	[tilespmem:v53+s18+$0x0] =	vst.idx.msk $0xffff, v47;
	v57 =	vadd.s32 v20, v35;
	v45 =	vmul.f32 $8.000000000e+00, v59  }
0x4d: {  	v40 =	vld [tilespmem:s29+$0x60];
	v44 =	vmul.f32 $8.000000000e+00, v50;
	v50 =	vmul.f32 $8.000000000e+00, v56;
	v56 =	vadd.s32 v16, v36;
	[tilespmem:v62+s18+$0x0] =	vst.idx.msk $0xffff, v46  }
0x4e: {  	v52 =	vshrl.u32 v52, $0x3;
	v60 =	vld [tilespmem:s29+$0xA0];
	[tilespmem:v49+s18+$0x0] =	vst.idx.msk $0xffff, v45  }
0x4f: {  	v62 =	vmul.f32 $8.000000000e+00, v63;
	[tilespmem:v55+s18+$0x0] =	vst.idx.msk $0xffff, v44;
	v44 =	vshll.u32 v52, v1;
	v52 =	vld [tilespmem:s29+$0xFFFFFF70];
	v63 =	vmul.f32 $8.000000000e+00, v39  }
0x50: {  	s26 =	simm.s32 $0xE;
	[tilespmem:v58+s18+$0x0] =	vst.idx.msk $0xffff, v50;
	v49 =	vld [tilespmem:s29+$0xFFFFFFB0]  }
0x51: {  	v48 =	vshrl.u32 v48, $0x3;
	v51 =	vshrl.u32 v51, $0x3;
	v38 =	vmov s26;
	v55 =	vld [tilespmem:s29+$0xF0];
	[tilespmem:v57+s18+$0x0] =	vst.idx.msk $0xffff, v63  }
0x52: {  	v41 =	vshrl.u32 v54, $0x3;
	v54 =	vadd.s32 v22, v33;
	v42 =	vshrl.u32 v38, $0x3;
	v50 =	vld [tilespmem:s29+$0xFFFFFF30];
	[tilespmem:v56+s18+$0x0] =	vst.idx.msk $0xffff, v62  }
0x53: {  	v38 =	vbroadcast v43, $0x0;
	v43 =	vshll.u32 v51, v1;
	v53 =	vadd.s32 v3, v29;
	v29 =	vmovc v21;
	v21 =	vld [tilespmem:$0x1FEC0]  }
0x54: {  	v51 =	vadd.s32 v31, v34;
	v46 =	vshll.u32 v41, v1;
	v41 =	vadd.s32 v9, v25;
	v25 =	vld [tilespmem:$0x1FEE0]  }
0x55: {  	s31 =	simm.s32 $0xF;
	v47 =	vshll.u32 v48, v1;
	v48 =	vadd.s32 v5, v17;
	v56 =	vld [tilespmem:s29+$0xFFFFFFF0]  }
0x56: {  	s30 =	simm.s32 $0x10;
	s28 =	sadd.s32 s5, s25;
	s26 =	sshllo.u32 s24, $0x1;
	v17 =	vmovc v5;
	v5 =	vmovc v0;
	v45 =	vshll.u32 v61, v1;
	v39 =	vmul.f32 $8.000000000e+00, v40;
	v40 =	vmul.f32 $8.000000000e+00, v60;
	v9 =	vld [tilespmem:$0x1FF00]  }
.LBB2_6:
0x57: {  	_ = 	snop  }
0x58: {  	v57 =	vmov s31;
	v37 =	vadd.s32 v21, v37;
	v58 =	vld [tilespmem:s29+$0x30];
	[tilespmem:v54+s18+$0x0] =	vst.idx.msk $0xffff, v39;
	v60 =	vmul.f32 $8.000000000e+00, v55  }
0x59: {  	v36 =	vadd.s32 v13, v36;
	v35 =	vadd.s32 v25, v35;
	v62 =	vld [tilespmem:s29+$0x70];
	[tilespmem:v51+s18+$0x0] =	vst.idx.msk $0xffff, v40;
	v50 =	vmul.f32 $8.000000000e+00, v50  }
0x5a: {  	v33 =	vadd.s32 v29, v33;
	v61 =	vshrl.u32 v57, $0x3;
	v63 =	vmul.f32 $8.000000000e+00, v52;
	[tilespmem:v53+s18+$0x0] =	vst.idx.msk $0xffff, v60  }
0x5b: {  	v39 =	vmov v38;
	v38 =	vshll.u32 v61, v1;
	v52 =	vld [tilespmem:s29+$0xB0];
	s29 =	sadd.s32 $0x200, s29;
	v54 =	vmul.f32 $8.000000000e+00, v49;
	[tilespmem:v48+s18+$0x0] =	vst.idx.msk $0xffff, v50  }
0x5c: {  	v40 =	vbroadcast v38, $0x0;
	v57 =	vmul.f32 $8.000000000e+00, v56;
	[tilespmem:v41+s18+$0x0] =	vst.idx.msk $0xffff, v63;
	v53 =	vld [tilespmem:s29+$0xC0]  }
0x5d: {  	v34 =	vadd.s32 v9, v34;
	[tilespmem:v37+s18+$0x0] =	vst.idx.msk $0xffff, v54;
	v60 =	vmul.f32 $8.000000000e+00, v58;
	v48 =	vld [tilespmem:s29+$0xFFFFFF00]  }
0x5e: {  	v41 =	vbroadcast v47, $0x0;
	v47 =	vadd.s32 v30, v40;
	[tilespmem:v36+s18+$0x0] =	vst.idx.msk $0xffff, v57;
	v62 =	vmul.f32 $8.000000000e+00, v62;
	v59 =	vld [tilespmem:s29+$0xFFFFFF40]  }
0x5f: {  	v51 =	vadd.s32 v4, v39;
	v37 =	vbroadcast v43, $0x0;
	v36 =	vbroadcast v44, $0x0;
	v61 =	vld [tilespmem:s29+$0xFFFFFF80];
	[tilespmem:v35+s18+$0x0] =	vst.idx.msk $0xffff, v60  }
0x60: {  	v49 =	vadd.s32 v6, v41;
	v35 =	vbroadcast v46, $0x0;
	[tilespmem:v33+s18+$0x0] =	vst.idx.msk $0xffff, v62;
	v56 =	vmul.f32 $8.000000000e+00, v52;
	v52 =	vld [tilespmem:s29+$0x0]  }
0x61: {  	v44 =	vadd.s32 v10, v37;
	v33 =	vbroadcast v45, $0x0;
	v57 =	vmul.f32 $8.000000000e+00, v53;
	v53 =	vld [tilespmem:s29+$0x40]  }
0x62: {  	v63 =	vld [tilespmem:s29+$0xFFFFFFC0];
	v45 =	vadd.s32 v18, v35;
	[tilespmem:v34+s18+$0x0] =	vst.idx.msk $0xffff, v56;
	v58 =	vmul.f32 $8.000000000e+00, v48  }
0x63: {  	v42 =	vshll.u32 v42, v1;
	v62 =	vadd.s32 v24, v33;
	v59 =	vmul.f32 $8.000000000e+00, v59;
	[tilespmem:v47+s18+$0x0] =	vst.idx.msk $0xffff, v57  }
0x64: {  	v60 =	vmov s30;
	v48 =	vadd.s32 v14, v36;
	v61 =	vmul.f32 $8.000000000e+00, v61;
	[tilespmem:v51+s18+$0x0] =	vst.idx.msk $0xffff, v58;
	v47 =	vld [tilespmem:s29+$0xD0]  }
0x65: {  	v34 =	vbroadcast v42, $0x0;
	v42 =	vshrl.u32 v60, $0x3;
	v50 =	vld [tilespmem:s29+$0x80];
	[tilespmem:v49+s18+$0x0] =	vst.idx.msk $0xffff, v59;
	v60 =	vmul.f32 $8.000000000e+00, v52  }
0x66: {  	[tilespmem:v44+s18+$0x0] =	vst.idx.msk $0xffff, v61;
	v44 =	vadd.s32 v28, v40;
	v51 =	vld [tilespmem:s29+$0xFFFFFF10];
	v61 =	vmul.f32 $8.000000000e+00, v53  }
0x67: {  	v63 =	vmul.f32 $8.000000000e+00, v63;
	v49 =	vadd.s32 v26, v34;
	v55 =	vld [tilespmem:s29+$0xFFFFFF50];
	[tilespmem:v45+s18+$0x0] =	vst.idx.msk $0xffff, v60  }
0x68: {  	v56 =	vadd.s32 v5, v39;
	v57 =	vld [tilespmem:s29+$0xFFFFFF90];
	[tilespmem:v62+s18+$0x0] =	vst.idx.msk $0xffff, v61  }
0x69: {  	[tilespmem:v48+s18+$0x0] =	vst.idx.msk $0xffff, v63;
	v53 =	vadd.s32 v7, v41;
	v38 =	vmul.f32 $8.000000000e+00, v47;
	v60 =	vld [tilespmem:s29+$0x50]  }
0x6a: {  	v43 =	vmul.f32 $8.000000000e+00, v50;
	v50 =	vadd.s32 v11, v37;
	v58 =	vld [tilespmem:s29+$0xFFFFFFD0]  }
0x6b: {  	v59 =	vld [tilespmem:s29+$0x10];
	v47 =	vmul.f32 $8.000000000e+00, v51;
	[tilespmem:v44+s18+$0x0] =	vst.idx.msk $0xffff, v38;
	v44 =	vadd.s32 v23, v33  }
0x6c: {  	s31 =	sadd.s32 $0x1, s30;
	[tilespmem:v49+s18+$0x0] =	vst.idx.msk $0xffff, v43;
	v51 =	vadd.s32 v15, v36;
	v49 =	vmul.f32 $8.000000000e+00, v55  }
0x6d: {  	v54 =	vmov s31;
	s31 =	sadd.s32 $0x2, s30;
	v55 =	vadd.s32 v19, v35;
	v61 =	vld [tilespmem:s29+$0x90];
	v62 =	vmul.f32 $8.000000000e+00, v57;
	[tilespmem:v56+s18+$0x0] =	vst.idx.msk $0xffff, v47  }
0x6e: {  	v54 =	vshrl.u32 v54, $0x3;
	v52 =	vmov s31;
	s31 =	sadd.s32 $0x3, s30;
	[tilespmem:v53+s18+$0x0] =	vst.idx.msk $0xffff, v49;
	v47 =	vld [tilespmem:s29+$0xE0];
	v49 =	vmul.f32 $8.000000000e+00, v60  }
0x6f: {  	v48 =	vmov s31;
	s31 =	sadd.s32 $0x4, s30;
	v53 =	vadd.s32 v27, v34;
	[tilespmem:v50+s18+$0x0] =	vst.idx.msk $0xffff, v62;
	v56 =	vld [tilespmem:s29+$0xFFFFFF20];
	v63 =	vmul.f32 $8.000000000e+00, v58  }
0x70: {  	v45 =	vmov s31;
	s31 =	sadd.s32 $0x5, s30;
	v38 =	vshll.u32 v42, v1;
	v42 =	vmul.f32 $8.000000000e+00, v59;
	v57 =	vld [tilespmem:s29+$0xFFFFFF60];
	[tilespmem:v44+s18+$0x0] =	vst.idx.msk $0xffff, v49  }
0x71: {  	v48 =	vshrl.u32 v48, $0x3;
	v46 =	vmov s31;
	s31 =	sadd.s32 $0x6, s30;
	v50 =	vadd.s32 v32, v40;
	[tilespmem:v51+s18+$0x0] =	vst.idx.msk $0xffff, v63;
	v63 =	vld [tilespmem:s29+$0x60]  }
0x72: {  	v43 =	vmov s31;
	v58 =	vadd.s32 v2, v39;
	v59 =	vld [tilespmem:s29+$0xFFFFFFA0];
	[tilespmem:v55+s18+$0x0] =	vst.idx.msk $0xffff, v42;
	v55 =	vmul.f32 $8.000000000e+00, v61  }
0x73: {  	v51 =	vadd.s32 v8, v41;
	v61 =	vshrl.u32 v46, $0x3;
	v46 =	vadd.s32 v12, v37;
	v60 =	vld [tilespmem:s29+$0xFFFFFFE0]  }
0x74: {  	v42 =	vshrl.u32 v43, $0x3;
	v62 =	vld [tilespmem:s29+$0x20];
	[tilespmem:v53+s18+$0x0] =	vst.idx.msk $0xffff, v55;
	v44 =	vmul.f32 $8.000000000e+00, v47;
	v43 =	vmul.f32 $8.000000000e+00, v56  }
0x75: {  	v56 =	vadd.s32 v16, v36;
	v49 =	vmul.f32 $8.000000000e+00, v57;
	v57 =	vadd.s32 v20, v35;
	v0 =	vld [tilespmem:s29+$0xA0]  }
0x76: {  	p1 =	slt.u32 s30, $0x78;
	[tilespmem:v50+s18+$0x0] =	vst.idx.msk $0xffff, v44;
	v44 =	vshll.u32 v48, v1;
	v48 =	vadd.s32 v17, v39;
	v39 =	vmul.f32 $8.000000000e+00, v63;
	v63 =	vld [tilespmem:$0x1FFE0]  }
.Ltmp2:
0x77: {  	v52 =	vshrl.u32 v52, $0x3;
	v45 =	vshrl.u32 v45, $0x3;
	v53 =	vmul.f32 $8.000000000e+00, v59;
	[tilespmem:v58+s18+$0x0] =	vst.idx.msk $0xffff, v43;
	v55 =	vld [tilespmem:s29+$0xF0];
	(pc) =	sbr.rel @p1 .LBB2_6-.Ltmp2, $4  }
0x78: {  	v47 =	vshll.u32 v54, v1;
	v54 =	vadd.s32 v22, v33;
	[tilespmem:v51+s18+$0x0] =	vst.idx.msk $0xffff, v49;
	v50 =	vld [tilespmem:s29+$0xFFFFFF30];
	v60 =	vmul.f32 $8.000000000e+00, v60  }
0x79: {  	v43 =	vshll.u32 v52, v1;
	v51 =	vadd.s32 v31, v34;
	[tilespmem:v46+s18+$0x0] =	vst.idx.msk $0xffff, v53;
	v52 =	vld [tilespmem:s29+$0xFFFFFF70];
	v62 =	vmul.f32 $8.000000000e+00, v62  }
0x7a: {  	v38 =	vbroadcast v38, $0x0;
	v53 =	vadd.s32 v3, v40;
	v46 =	vshll.u32 v45, v1;
	v49 =	vld [tilespmem:s29+$0xFFFFFFB0];
	[tilespmem:v56+s18+$0x0] =	vst.idx.msk $0xffff, v60  }
0x7b: {  	s31 =	sadd.s32 $0x7, s30;
	s30 =	sadd.s32 $0x8, s30;
	v45 =	vshll.u32 v61, v1;
	[tilespmem:v57+s18+$0x0] =	vst.idx.msk $0xffff, v62;
	v40 =	vmul.f32 $8.000000000e+00, v0;
	v56 =	vld [tilespmem:s29+$0xFFFFFFF0];
	v41 =	vadd.s32 v63, v41  }
0x7c: {  	_ =	sdelay $0x3  }
0x7d: {  	v0 =	vmov s31;
	v37 =	vadd.s32 v21, v37;
	v57 =	vld [tilespmem:s29+$0x30];
	[tilespmem:v54+s18+$0x0] =	vst.idx.msk $0xffff, v39;
	v62 =	vmul.f32 $8.000000000e+00, v55  }
0x7e: {  	v36 =	vadd.s32 v13, v36;
	v0 =	vshrl.u32 v0, $0x3;
	v50 =	vmul.f32 $8.000000000e+00, v50;
	v54 =	vld [tilespmem:s29+$0x70];
	[tilespmem:v51+s18+$0x0] =	vst.idx.msk $0xffff, v40  }
0x7f: {  	v35 =	vadd.s32 v25, v35;
	v0 =	vshll.u32 v0, v1;
	v63 =	vmul.f32 $8.000000000e+00, v52;
	v51 =	vld [tilespmem:s29+$0xB0];
	[tilespmem:v53+s18+$0x0] =	vst.idx.msk $0xffff, v62;
	s29 =	sadd.s32 $0x200, s29  }
0x80: {  	v33 =	vadd.s32 v29, v33;
	v39 =	vld [tilespmem:s29+$0xC0];
	v0 =	vbroadcast v0, $0x0;
	[tilespmem:v48+s18+$0x0] =	vst.idx.msk $0xffff, v50;
	v55 =	vmul.f32 $8.000000000e+00, v49  }
0x81: {  	v42 =	vshll.u32 v42, v1;
	v34 =	vadd.s32 v9, v34;
	v49 =	vld [tilespmem:s29+$0xFFFFFF00];
	[tilespmem:v41+s18+$0x0] =	vst.idx.msk $0xffff, v63;
	v58 =	vmul.f32 $8.000000000e+00, v56  }
0x82: {  	v47 =	vbroadcast v47, $0x0;
	v59 =	vld [tilespmem:s29+$0xFFFFFF40];
	v50 =	vadd.s32 v30, v0;
	[tilespmem:v37+s18+$0x0] =	vst.idx.msk $0xffff, v55;
	v60 =	vmul.f32 $8.000000000e+00, v57  }
0x83: {  	v61 =	vadd.s32 v4, v38;
	v43 =	vbroadcast v43, $0x0;
	v62 =	vld [tilespmem:s29+$0xFFFFFF80];
	[tilespmem:v36+s18+$0x0] =	vst.idx.msk $0xffff, v58;
	v63 =	vmul.f32 $8.000000000e+00, v54  }
0x84: {  	v44 =	vbroadcast v44, $0x0;
	v40 =	vadd.s32 v6, v47;
	v53 =	vld [tilespmem:s29+$0xFFFFFFC0];
	[tilespmem:v35+s18+$0x0] =	vst.idx.msk $0xffff, v60;
	v55 =	vmul.f32 $8.000000000e+00, v51  }
0x85: {  	v46 =	vbroadcast v46, $0x0;
	v56 =	vadd.s32 v10, v43;
	v57 =	vld [tilespmem:s29+$0x0];
	v39 =	vmul.f32 $8.000000000e+00, v39;
	[tilespmem:v33+s18+$0x0] =	vst.idx.msk $0xffff, v63  }
0x86: {  	v45 =	vbroadcast v45, $0x0;
	v36 =	vadd.s32 v14, v44;
	v58 =	vmul.f32 $8.000000000e+00, v49;
	v49 =	vld [tilespmem:s29+$0x40];
	[tilespmem:v34+s18+$0x0] =	vst.idx.msk $0xffff, v55  }
0x87: {  	v42 =	vbroadcast v42, $0x0;
	v41 =	vld [tilespmem:s29+$0x80];
	v35 =	vadd.s32 v18, v46;
	v59 =	vmul.f32 $8.000000000e+00, v59;
	[tilespmem:v50+s18+$0x0] =	vst.idx.msk $0xffff, v39  }
0x88: {  	v60 =	vmul.f32 $8.000000000e+00, v62;
	[tilespmem:v61+s18+$0x0] =	vst.idx.msk $0xffff, v58;
	v61 =	vadd.s32 v24, v45;
	v62 =	vld [tilespmem:s29+$0xD0]  }
0x89: {  	v10 =	vmul.f32 $8.000000000e+00, v53;
	[tilespmem:v40+s18+$0x0] =	vst.idx.msk $0xffff, v59;
	v40 =	vadd.s32 v26, v42;
	v63 =	vld [tilespmem:s29+$0xFFFFFF10]  }
0x8a: {  	v37 =	vadd.s32 v28, v0;
	[tilespmem:v56+s18+$0x0] =	vst.idx.msk $0xffff, v60;
	v18 =	vmul.f32 $8.000000000e+00, v57;
	v52 =	vld [tilespmem:s29+$0xFFFFFF50]  }
0x8b: {  	v51 =	vadd.s32 v5, v38;
	v53 =	vld [tilespmem:s29+$0xFFFFFF90];
	[tilespmem:v36+s18+$0x0] =	vst.idx.msk $0xffff, v10;
	v54 =	vmul.f32 $8.000000000e+00, v49  }
0x8c: {  	v55 =	vmul.f32 $8.000000000e+00, v41;
	v36 =	vadd.s32 v7, v47;
	[tilespmem:v35+s18+$0x0] =	vst.idx.msk $0xffff, v18;
	v49 =	vld [tilespmem:s29+$0xFFFFFFD0]  }
0x8d: {  	v35 =	vadd.s32 v11, v43;
	v41 =	vld [tilespmem:s29+$0x10];
	[tilespmem:v61+s18+$0x0] =	vst.idx.msk $0xffff, v54;
	v10 =	vmul.f32 $8.000000000e+00, v62  }
0x8e: {  	v14 =	vmov v11;
	v58 =	vadd.s32 v15, v44;
	[tilespmem:v40+s18+$0x0] =	vst.idx.msk $0xffff, v55;
	v11 =	vmul.f32 $8.000000000e+00, v63;
	v59 =	vld [tilespmem:s29+$0x50]  }
0x8f: {  	v40 =	vadd.s32 v19, v46;
	v18 =	vmul.f32 $8.000000000e+00, v52;
	v52 =	vld [tilespmem:s29+$0x90];
	[tilespmem:v37+s18+$0x0] =	vst.idx.msk $0xffff, v10  }
0x90: {  	v62 =	vmovc v23;
	v54 =	vmov v19;
	v19 =	vmul.f32 $8.000000000e+00, v53;
	[tilespmem:v51+s18+$0x0] =	vst.idx.msk $0xffff, v11;
	v37 =	vadd.s32 v23, v45;
	v23 =	vld [tilespmem:s29+$0xE0]  }
0x91: {  	[tilespmem:v36+s18+$0x0] =	vst.idx.msk $0xffff, v18;
	v10 =	vmul.f32 $8.000000000e+00, v49;
	v36 =	vadd.s32 v27, v42;
	v51 =	vld [tilespmem:s29+$0xFFFFFF20]  }
0x92: {  	v11 =	vmul.f32 $8.000000000e+00, v41;
	v49 =	vld [tilespmem:s29+$0xFFFFFF60];
	[tilespmem:v35+s18+$0x0] =	vst.idx.msk $0xffff, v19;
	v35 =	vadd.s32 v32, v0  }
0x93: {  	v41 =	vadd.s32 v2, v38;
	v53 =	vld [tilespmem:s29+$0xFFFFFFA0];
	[tilespmem:v58+s18+$0x0] =	vst.idx.msk $0xffff, v10;
	v18 =	vmul.f32 $8.000000000e+00, v59  }
0x94: {  	v48 =	vadd.s32 v8, v47;
	[tilespmem:v40+s18+$0x0] =	vst.idx.msk $0xffff, v11;
	v50 =	vld [tilespmem:s29+$0xFFFFFFE0];
	v19 =	vmul.f32 $8.000000000e+00, v52  }
0x95: {  	v40 =	vadd.s32 v12, v43;
	v52 =	vld [tilespmem:s29+$0x20];
	[tilespmem:v37+s18+$0x0] =	vst.idx.msk $0xffff, v18;
	v23 =	vmul.f32 $8.000000000e+00, v23  }
0x96: {  	v58 =	vmov v8;
	v8 =	vadd.s32 v16, v44;
	[tilespmem:v36+s18+$0x0] =	vst.idx.msk $0xffff, v19;
	v61 =	vmul.f32 $8.000000000e+00, v51;
	v10 =	vld [tilespmem:s29+$0x60]  }
0x97: {  	v55 =	vmov v16;
	v16 =	vadd.s32 v20, v46;
	v11 =	vmul.f32 $8.000000000e+00, v49;
	v18 =	vld [tilespmem:s29+$0xA0];
	[tilespmem:v35+s18+$0x0] =	vst.idx.msk $0xffff, v23  }
0x98: {  	v59 =	vmov v20;
	v20 =	vadd.s32 v22, v45;
	v19 =	vmul.f32 $8.000000000e+00, v53;
	[tilespmem:v41+s18+$0x0] =	vst.idx.msk $0xffff, v61;
	v22 =	vld [tilespmem:s29+$0xF0]  }
0x99: {  	[tilespmem:v48+s18+$0x0] =	vst.idx.msk $0xffff, v11;
	v23 =	vmul.f32 $8.000000000e+00, v50;
	v41 =	vld [tilespmem:s29+$0xFFFFFF30]  }
0x9a: {  	v50 =	vld [tilespmem:s29+$0xFFFFFF70];
	[tilespmem:v40+s18+$0x0] =	vst.idx.msk $0xffff, v19  }
0x9b: {  	v48 =	vadd.s32 v31, v42;
	v53 =	vmul.f32 $8.000000000e+00, v52;
	v40 =	vld [tilespmem:s29+$0xFFFFFFB0];
	[tilespmem:v8+s18+$0x0] =	vst.idx.msk $0xffff, v23  }
0x9c: {  	v0 =	vadd.s32 v3, v0;
	v4 =	vld [tilespmem:$0x1FFE0]  }
0x9d: {  	v61 =	vadd.s32 v17, v38;
	v8 =	vmul.f32 $8.000000000e+00, v10;
	v11 =	vld [tilespmem:s29+$0xFFFFFFF0];
	[tilespmem:v16+s18+$0x0] =	vst.idx.msk $0xffff, v53  }
0x9e: {  	v16 =	vmul.f32 $8.000000000e+00, v18;
	v18 =	vadd.s32 v21, v43;
	v19 =	vld [tilespmem:s29+$0x30]  }
0x9f: {  	[tilespmem:v20+s18+$0x0] =	vst.idx.msk $0xffff, v8;
	v20 =	vmul.f32 $8.000000000e+00, v22;
	v22 =	vadd.s32 v13, v44  }
0xa0: {  	v49 =	vadd.s32 v25, v46;
	[tilespmem:v48+s18+$0x0] =	vst.idx.msk $0xffff, v16;
	v21 =	vmul.f32 $8.000000000e+00, v41;
	v23 =	vld [tilespmem:s29+$0x70]  }
0xa1: {  	v48 =	vmul.f32 $8.000000000e+00, v50;
	v50 =	vld [tilespmem:s29+$0xB0];
	v10 =	vadd.s32 v4, v47;
	[tilespmem:v0+s18+$0x0] =	vst.idx.msk $0xffff, v20;
	v0 =	vmul.f32 $8.000000000e+00, v40  }
0xa2: {  	v51 =	vadd.s32 v29, v45;
	[tilespmem:v61+s18+$0x0] =	vst.idx.msk $0xffff, v21;
	v52 =	vmul.f32 $8.000000000e+00, v11  }
0xa3: {  	v53 =	vadd.s32 v9, v42;
	[tilespmem:v18+s18+$0x0] =	vst.idx.msk $0xffff, v0;
	v0 =	vmul.f32 $8.000000000e+00, v19  }
0xa4: {  	[tilespmem:v22+s18+$0x0] =	vst.idx.msk $0xffff, v52  }
0xa5: {  	s29 =	sshll.u32 s28, $0x4;
	v61 =	vmul.f32 $8.000000000e+00, v23;
	[tilespmem:v49+s18+$0x0] =	vst.idx.msk $0xffff, v0  }
0xa6: {  	s28 =	sshll.u32 s28, $0xA;
	s29 =	sand.u32 $0x7E0, s29;
	v0 =	vmul.f32 $8.000000000e+00, v50;
	[tilespmem:v10+s18+$0x0] =	vst.idx.msk $0xffff, v48  }
0xa7: {  	s28 =	sand.u32 $0xFFE0000, s28;
	s29 =	sadd.s32 s7, s29;
	[tilespmem:v51+s18+$0x0] =	vst.idx.msk $0xffff, v61  }
0xa8: {  	s28 =	sadd.s32 s28, s29;
	s29 =	simm.s32 $0x4100;
	[tilespmem:v53+s18+$0x0] =	vst.idx.msk $0xffff, v0  }
0xa9: {  	v5 =	vmovc v17;
	v56 =	vmov v28;
	v57 =	vmov v7;
	v24 =	vmov v27;
	[hbm4b:s28+s3] =	stream.linear.scatter [tilespmem:s29], [sflag:$0x5], $0x80, $0x38;
	[tilespmem:$0x8500] =	vst v63  }
0xaa: {  	v28 =	vmovc v32;
	v60 =	vmovc v12;
	v63 =	vmov v15;
	v13 =	vmov v2;
	v3 =	vmov v4;
	s29 =	simm.s32 $0x220  }
.LBB2_8:
0xab: {  	p1 =	sne.s32 s29, $0x85E0  }
.Ltmp3:
0xac: {  	_ = 	snop;
	(pc) =	sbr.rel @p1 .LBB2_8-.Ltmp3, $4  }
0xad: {  	_ = 	snop  }
0xae: {  	s30 =	sshra.s32 s29, $0x2;
	s29 =	sadd.s32 $0x220, s29  }
0xaf: {  	s28 =	sadd.s32 $0x800, s28;
	s30 =	sadd.s32 $0x4100, s30  }
0xb0: {  	[hbm4b:s28+s3] =	stream.linear.scatter [tilespmem:s30], [sflag:$0x5], $0x80, $0x38;
	[tilespmem:$0x8500] =	vst v63  }
0xb1: {  	p1 =	sne.s32 s24, $0x63  }
.Ltmp4:
0xb2: {  	_ = 	snop;
	(pc) =	sbr.rel @p1 .LBB2_11-.Ltmp4, $1  }
0xb3: {  	_ =	sdelay $0x3  }
0xb4: {  	_ =	swait.ge [sflag:s19], $0x2000  }
0xb5: {  	v4 =	vld [tilespmem:$0x1FF10]  }
0xb6: {  	v6 =	vld [tilespmem:$0x1FF20]  }
0xb7: {  	v10 =	vld [tilespmem:$0x1FF30]  }
.Ltmp5:
0xb8: {  	v11 =	vmov v14;
	v14 =	vld [tilespmem:$0x1FF40];
	(pc) =	sbr.rel .LBB2_12-.Ltmp5, $4  }
0xb9: {  	v18 =	vld [tilespmem:$0x1FF50]  }
0xba: {  	v7 =	vmov v57;
	v8 =	vmov v58;
	v22 =	vld [tilespmem:$0x1FF60]  }
0xbb: {  	v9 =	vmovc v3;
	v12 =	vmovc v60;
	v15 =	vmov v63;
	v16 =	vmov v55;
	v19 =	vmov v54;
	[sflag:s19] =	ssyncset.done $0x0;
	v26 =	vld [tilespmem:$0x1FFC0]  }
0xbc: {  	v20 =	vmovc v59;
	v23 =	vmovc v62;
	v27 =	vmov v24;
	v31 =	vmov v56;
	v32 =	vmov v28;
	v30 =	vld [tilespmem:$0x1FF70];
	[sflag:s19] =	ssyncadd.s32 $0xFFFFE000  }
.LBB2_11:
0xbd: {  	_ =	swait.ge [sflag:s12], $0x80  }
0xbe: {  	[sflag:s12] =	ssyncset.done $0x0  }
0xbf: {  	[sflag:s12] =	ssyncadd.s32 $0xFFFFFF80  }
0xc0: {  	[tilespmem:s14], [sflag:$0x3] =	stream.indirect.gather [hbm4b:s4+s13], $0x40, s3, s13, $0xb8;
	[tilespmem:$0x8500] =	vst v63  }
0xc1: {  	_ =	swait.ge [sflag:s19], $0x2000  }
0xc2: {  	v4 =	vld [tilespmem:$0x1FF10]  }
0xc3: {  	v6 =	vld [tilespmem:$0x1FF20]  }
0xc4: {  	v10 =	vld [tilespmem:$0x1FF30]  }
.Ltmp6:
0xc5: {  	s25 =	sadd.s32 s25, s10;
	v11 =	vmov v14;
	v14 =	vld [tilespmem:$0x1FF40];
	(pc) =	sbr.rel @p0 .LBB2_13-.Ltmp6, $4  }
0xc6: {  	s25 =	sshll.u32 s25, $0x4;
	v18 =	vld [tilespmem:$0x1FF50]  }
0xc7: {  	v7 =	vmov v57;
	v8 =	vmov v58;
	s25 =	sand.u32 $0x1FFFFFF0, s25;
	[sflag:s19] =	ssyncset.done $0x0;
	v22 =	vld [tilespmem:$0x1FF60]  }
0xc8: {  	v9 =	vmovc v3;
	v12 =	vmovc v60;
	v15 =	vmov v63;
	v16 =	vmov v55;
	v19 =	vmov v54;
	s25 =	sadd.s32 s1, s25;
	v26 =	vld [tilespmem:$0x1FFC0];
	[sflag:s19] =	ssyncadd.s32 $0xFFFFE000  }
0xc9: {  	v20 =	vmovc v59;
	v23 =	vmovc v62;
	v27 =	vmov v24;
	v31 =	vmov v56;
	v32 =	vmov v28;
	v30 =	vld [tilespmem:$0x1FF70];
	[tilespmem:s13], [sflag:$0x2] =	stream.linear.gather [hbm4b:s25+s3], $0x80, $0x38  }
.LBB2_12:
0xca: {  	_ =	swait.ge [sflag:s20], $0x2000  }
0xcb: {  	[sflag:s20] =	ssyncset.done $0x0  }
0xcc: {  	[sflag:s20] =	ssyncadd.s32 $0xFFFFE000  }
.LBB2_13:
0xcd: {  	s25 =	simm.s32 $0x0  }
0xce: {  	s30 =	simm.s32 $0x1;
	s28 =	simm.s32 $0x2;
	v0 =	vmov s25  }
0xcf: {  	v33 =	vmov s30;
	v34 =	vmov s28;
	s28 =	simm.s32 $0x5;
	s30 =	simm.s32 $0x7;
	v0 =	vshrl.u32 v0, $0x3  }
0xd0: {  	v37 =	vmov s28;
	v33 =	vshrl.u32 v33, $0x3;
	v39 =	vmov s30  }
0xd1: {  	v34 =	vshrl.u32 v34, $0x3;
	s28 =	simm.s32 $0x2200;
	v0 =	vshll.u32 v0, v1;
	v39 =	vshrl.u32 v39, $0x3  }
0xd2: {  	v37 =	vshrl.u32 v37, $0x3;
	v33 =	vshll.u32 v33, v1;
	v42 =	vld [tilespmem:s28+$0xFFFFFF00];
	v17 =	vbroadcast v0, $0x0  }
0xd3: {  	v34 =	vshll.u32 v34, v1;
	v44 =	vld [tilespmem:s28+$0xFFFFFF40];
	v40 =	vshll.u32 v39, v1;
	v21 =	vbroadcast v33, $0x0  }
0xd4: {  	v47 =	vld [tilespmem:s28+$0xFFFFFF80];
	v57 =	vshll.u32 v37, v1;
	v37 =	vbroadcast v34, $0x0;
	v46 =	vadd.s32 v4, v17  }
0xd5: {  	s29 =	simm.s32 $0x3;
	s31 =	simm.s32 $0x4;
	v0 =	vld [tilespmem:s28+$0xC0];
	v25 =	vbroadcast v40, $0x0;
	v59 =	vadd.s32 v6, v21  }
0xd6: {  	v35 =	vmov s29;
	s29 =	simm.s32 $0x6;
	v36 =	vmov s31;
	v49 =	vadd.s32 v10, v37  }
0xd7: {  	v38 =	vmov s29;
	v45 =	vadd.s32 v30, v25;
	v42 =	vmul.f32 $8.000000000e+00, v42  }
0xd8: {  	v35 =	vshrl.u32 v35, $0x3;
	v36 =	vshrl.u32 v36, $0x3;
	v44 =	vmul.f32 $8.000000000e+00, v44  }
0xd9: {  	v38 =	vshrl.u32 v38, $0x3;
	v35 =	vshll.u32 v35, v1;
	v48 =	vld [tilespmem:s28+$0xFFFFFFC0];
	v60 =	vmul.f32 $8.000000000e+00, v47;
	[tilespmem:v46+s21+$0x0] =	vst.idx.msk $0xffff, v42  }
0xda: {  	v43 =	vshll.u32 v36, v1;
	v50 =	vld [tilespmem:s28+$0x0];
	v36 =	vbroadcast v35, $0x0;
	v0 =	vmul.f32 $8.000000000e+00, v0;
	[tilespmem:v59+s21+$0x0] =	vst.idx.msk $0xffff, v44  }
0xdb: {  	v51 =	vld [tilespmem:s28+$0x40];
	v58 =	vshll.u32 v38, v1;
	v35 =	vbroadcast v43, $0x0;
	[tilespmem:v49+s21+$0x0] =	vst.idx.msk $0xffff, v60  }
0xdc: {  	v53 =	vld [tilespmem:s28+$0x80];
	v34 =	vbroadcast v58, $0x0;
	v43 =	vadd.s32 v14, v36;
	[tilespmem:v45+s21+$0x0] =	vst.idx.msk $0xffff, v0  }
0xdd: {  	v33 =	vbroadcast v57, $0x0;
	v52 =	vadd.s32 v18, v35;
	v3 =	vld [tilespmem:$0x1FFA0]  }
0xde: {  	v62 =	vadd.s32 v26, v34;
	v54 =	vld [tilespmem:s28+$0xFFFFFF50]  }
0xdf: {  	v61 =	vmul.f32 $8.000000000e+00, v48;
	v45 =	vadd.s32 v22, v33;
	v46 =	vld [tilespmem:s28+$0xD0]  }
0xe0: {  	v63 =	vmul.f32 $8.000000000e+00, v50;
	v60 =	vmul.f32 $8.000000000e+00, v51;
	v51 =	vadd.s32 v7, v21;
	v47 =	vld [tilespmem:s28+$0xFFFFFF10]  }
0xe1: {  	v49 =	vadd.s32 v31, v25;
	v56 =	vld [tilespmem:s28+$0xFFFFFF90];
	[tilespmem:v43+s21+$0x0] =	vst.idx.msk $0xffff, v61;
	v61 =	vmul.f32 $8.000000000e+00, v53  }
0xe2: {  	[tilespmem:v52+s21+$0x0] =	vst.idx.msk $0xffff, v63;
	v57 =	vld [tilespmem:s28+$0xFFFFFFD0];
	v55 =	vadd.s32 v3, v17  }
0xe3: {  	v58 =	vld [tilespmem:s28+$0x10];
	[tilespmem:v62+s21+$0x0] =	vst.idx.msk $0xffff, v61;
	v44 =	vmul.f32 $8.000000000e+00, v54  }
0xe4: {  	v53 =	vadd.s32 v11, v37;
	[tilespmem:v45+s21+$0x0] =	vst.idx.msk $0xffff, v60;
	v60 =	vld [tilespmem:s28+$0x90];
	v38 =	vmul.f32 $8.000000000e+00, v46  }
0xe5: {  	v54 =	vadd.s32 v19, v35;
	v46 =	vmul.f32 $8.000000000e+00, v47;
	v59 =	vld [tilespmem:s28+$0x50];
	[tilespmem:v51+s21+$0x0] =	vst.idx.msk $0xffff, v44  }
0xe6: {  	v47 =	vadd.s32 v15, v36;
	[tilespmem:v49+s21+$0x0] =	vst.idx.msk $0xffff, v38  }
0xe7: {  	s31 =	simm.s32 $0x8;
	v62 =	vmul.f32 $8.000000000e+00, v56;
	v51 =	vadd.s32 v27, v34;
	v49 =	vld [tilespmem:s28+$0xE0];
	[tilespmem:v55+s21+$0x0] =	vst.idx.msk $0xffff, v46  }
0xe8: {  	v0 =	vmov s31;
	s31 =	simm.s32 $0xA;
	v38 =	vmul.f32 $8.000000000e+00, v58;
	v46 =	vadd.s32 v23, v33;
	v55 =	vld [tilespmem:s28+$0xFFFFFF20]  }
0xe9: {  	v50 =	vmov s31;
	v63 =	vmul.f32 $8.000000000e+00, v57;
	[tilespmem:v53+s21+$0x0] =	vst.idx.msk $0xffff, v62;
	v53 =	vadd.s32 v32, v25;
	v56 =	vld [tilespmem:s28+$0xFFFFFF60]  }
0xea: {  	s31 =	simm.s32 $0xC;
	v57 =	vadd.s32 v13, v17;
	v58 =	vld [tilespmem:s28+$0xFFFFFFA0];
	[tilespmem:v54+s21+$0x0] =	vst.idx.msk $0xffff, v38;
	v44 =	vmul.f32 $8.000000000e+00, v59;
	v59 =	vmul.f32 $8.000000000e+00, v60  }
0xeb: {  	v52 =	vmov s31;
	[tilespmem:v47+s21+$0x0] =	vst.idx.msk $0xffff, v63;
	v63 =	vld [tilespmem:s28+$0x20]  }
0xec: {  	v41 =	vshrl.u32 v52, $0x3;
	v52 =	vadd.s32 v8, v21;
	v61 =	vld [tilespmem:s28+$0xFFFFFFE0];
	[tilespmem:v51+s21+$0x0] =	vst.idx.msk $0xffff, v59;
	v54 =	vmul.f32 $8.000000000e+00, v49  }
0xed: {  	v0 =	vshrl.u32 v0, $0x3;
	v60 =	vld [tilespmem:s28+$0xA0];
	[tilespmem:v46+s21+$0x0] =	vst.idx.msk $0xffff, v44;
	v55 =	vmul.f32 $8.000000000e+00, v55  }
0xee: {  	v40 =	vshll.u32 v0, v1;
	v62 =	vadd.s32 v12, v37;
	[tilespmem:v53+s21+$0x0] =	vst.idx.msk $0xffff, v54;
	v39 =	vld [tilespmem:s28+$0x60]  }
0xef: {  	v38 =	vbroadcast v40, $0x0;
	v40 =	vmul.f32 $8.000000000e+00, v56;
	[tilespmem:v57+s21+$0x0] =	vst.idx.msk $0xffff, v55;
	v55 =	vld [tilespmem:s28+$0xF0]  }
0xf0: {  	v50 =	vshrl.u32 v50, $0x3;
	v0 =	vadd.s32 v16, v36;
	v24 =	vld [tilespmem:$0x1FFB0]  }
0xf1: {  	v59 =	vadd.s32 v20, v35;
	v58 =	vmul.f32 $8.000000000e+00, v58;
	v44 =	vshll.u32 v50, v1;
	v50 =	vld [tilespmem:s28+$0xFFFFFF30];
	[tilespmem:v52+s21+$0x0] =	vst.idx.msk $0xffff, v40  }
0xf2: {  	v28 =	vld [tilespmem:$0x1FFD0]  }
0xf3: {  	v61 =	vmul.f32 $8.000000000e+00, v61;
	v52 =	vld [tilespmem:s28+$0xFFFFFF70];
	[tilespmem:v62+s21+$0x0] =	vst.idx.msk $0xffff, v58  }
0xf4: {  	s30 =	simm.s32 $0x9;
	v63 =	vmul.f32 $8.000000000e+00, v63;
	v2 =	vld [tilespmem:$0x1FF90]  }
0xf5: {  	v48 =	vmov s30;
	s30 =	simm.s32 $0xB;
	s31 =	simm.s32 $0xE;
	v49 =	vld [tilespmem:s28+$0xFFFFFFB0];
	[tilespmem:v0+s21+$0x0] =	vst.idx.msk $0xffff, v61  }
0xf6: {  	v48 =	vshrl.u32 v48, $0x3;
	v43 =	vmov s30;
	s30 =	simm.s32 $0xD;
	v42 =	vmov s31;
	[tilespmem:v59+s21+$0x0] =	vst.idx.msk $0xffff, v63;
	v56 =	vld [tilespmem:s28+$0xFFFFFFF0]  }
0xf7: {  	v45 =	vmov s30;
	v47 =	vshll.u32 v48, v1;
	v48 =	vadd.s32 v5, v17;
	v5 =	vld [tilespmem:$0x1FEC0]  }
0xf8: {  	v29 =	vshrl.u32 v45, $0x3;
	v46 =	vshll.u32 v41, v1;
	v41 =	vadd.s32 v9, v21;
	v21 =	vld [tilespmem:$0x1FED0]  }
0xf9: {  	v43 =	vshrl.u32 v43, $0x3;
	v42 =	vshrl.u32 v42, $0x3;
	v9 =	vld [tilespmem:$0x1FEE0];
	v54 =	vadd.s32 v24, v33  }
0xfa: {  	v45 =	vshll.u32 v43, v1;
	v43 =	vshll.u32 v29, v1;
	v17 =	vld [tilespmem:$0x1FF00];
	v51 =	vadd.s32 v28, v34  }
0xfb: {  	s25 =	sadd.s32 s5, s26;
	s26 =	simm.s32 $0x10;
	s29 =	simm.s32 $0xF;
	v29 =	vmovc v3;
	v40 =	vmul.f32 $8.000000000e+00, v60;
	v39 =	vmul.f32 $8.000000000e+00, v39;
	v53 =	vadd.s32 v2, v25;
	v25 =	vld [tilespmem:$0x1FEF0]  }
.LBB2_14:
0xfc: {  	_ =	sdelay $0x1  }
0xfd: {  	v0 =	vmov s29;
	v37 =	vadd.s32 v5, v37;
	v57 =	vld [tilespmem:s28+$0x30];
	[tilespmem:v54+s21+$0x0] =	vst.idx.msk $0xffff, v39;
	v59 =	vmul.f32 $8.000000000e+00, v55  }
0xfe: {  	v36 =	vadd.s32 v21, v36;
	v0 =	vshrl.u32 v0, $0x3;
	[tilespmem:v51+s21+$0x0] =	vst.idx.msk $0xffff, v40;
	v61 =	vld [tilespmem:s28+$0x70];
	v60 =	vmul.f32 $8.000000000e+00, v50  }
0xff: {  	v35 =	vadd.s32 v9, v35;
	v0 =	vshll.u32 v0, v1;
	v63 =	vld [tilespmem:s28+$0xB0];
	s28 =	sadd.s32 $0x200, s28;
	v62 =	vmul.f32 $8.000000000e+00, v52;
	[tilespmem:v53+s21+$0x0] =	vst.idx.msk $0xffff, v59  }
0x100: {  	v33 =	vadd.s32 v25, v33;
	v40 =	vbroadcast v0, $0x0;
	v0 =	vmul.f32 $8.000000000e+00, v49;
	[tilespmem:v48+s21+$0x0] =	vst.idx.msk $0xffff, v60;
	v53 =	vld [tilespmem:s28+$0xC0]  }
0x101: {  	v34 =	vadd.s32 v17, v34;
	v39 =	vmov v38;
	v58 =	vmul.f32 $8.000000000e+00, v56;
	[tilespmem:v41+s21+$0x0] =	vst.idx.msk $0xffff, v62;
	v38 =	vld [tilespmem:s28+$0xFFFFFF00]  }
0x102: {  	v41 =	vbroadcast v47, $0x0;
	v59 =	vadd.s32 v30, v40;
	[tilespmem:v37+s21+$0x0] =	vst.idx.msk $0xffff, v0;
	v0 =	vmul.f32 $8.000000000e+00, v57;
	v49 =	vld [tilespmem:s28+$0xFFFFFF40]  }
0x103: {  	v51 =	vadd.s32 v4, v39;
	v37 =	vbroadcast v44, $0x0;
	[tilespmem:v36+s21+$0x0] =	vst.idx.msk $0xffff, v58;
	v54 =	vld [tilespmem:s28+$0xFFFFFF80];
	v60 =	vmul.f32 $8.000000000e+00, v61  }
0x104: {  	v36 =	vbroadcast v45, $0x0;
	v62 =	vld [tilespmem:s28+$0xFFFFFFC0];
	v61 =	vadd.s32 v6, v41;
	[tilespmem:v35+s21+$0x0] =	vst.idx.msk $0xffff, v0;
	v0 =	vmul.f32 $8.000000000e+00, v63  }
0x105: {  	v63 =	vadd.s32 v10, v37;
	v35 =	vbroadcast v46, $0x0;
	v57 =	vld [tilespmem:s28+$0x0];
	[tilespmem:v33+s21+$0x0] =	vst.idx.msk $0xffff, v60;
	v58 =	vmul.f32 $8.000000000e+00, v53  }
0x106: {  	v42 =	vshll.u32 v42, v1;
	v44 =	vadd.s32 v14, v36;
	[tilespmem:v34+s21+$0x0] =	vst.idx.msk $0xffff, v0;
	v38 =	vmul.f32 $8.000000000e+00, v38  }
0x107: {  	v33 =	vbroadcast v43, $0x0;
	v43 =	vadd.s32 v18, v35;
	v53 =	vld [tilespmem:s28+$0x40];
	v0 =	vmul.f32 $8.000000000e+00, v49;
	[tilespmem:v59+s21+$0x0] =	vst.idx.msk $0xffff, v58  }
0x108: {  	v34 =	vbroadcast v42, $0x0;
	v49 =	vld [tilespmem:s28+$0x80];
	v60 =	vmul.f32 $8.000000000e+00, v54;
	[tilespmem:v51+s21+$0x0] =	vst.idx.msk $0xffff, v38  }
0x109: {  	v46 =	vadd.s32 v22, v33;
	[tilespmem:v61+s21+$0x0] =	vst.idx.msk $0xffff, v0;
	v0 =	vmul.f32 $8.000000000e+00, v62;
	v47 =	vld [tilespmem:s28+$0xD0]  }
0x10a: {  	v61 =	vadd.s32 v26, v34;
	[tilespmem:v63+s21+$0x0] =	vst.idx.msk $0xffff, v60;
	v63 =	vmul.f32 $8.000000000e+00, v57;
	v51 =	vld [tilespmem:s28+$0xFFFFFF10]  }
0x10b: {  	v45 =	vadd.s32 v31, v40;
	v62 =	vld [tilespmem:s28+$0xFFFFFF50];
	[tilespmem:v44+s21+$0x0] =	vst.idx.msk $0xffff, v0  }
0x10c: {  	v55 =	vadd.s32 v29, v39;
	v56 =	vld [tilespmem:s28+$0xFFFFFF90];
	[tilespmem:v43+s21+$0x0] =	vst.idx.msk $0xffff, v63;
	v0 =	vmul.f32 $8.000000000e+00, v53  }
0x10d: {  	v53 =	vadd.s32 v7, v41;
	v60 =	vmul.f32 $8.000000000e+00, v49;
	v58 =	vld [tilespmem:s28+$0x10]  }
0x10e: {  	v57 =	vld [tilespmem:s28+$0xFFFFFFD0];
	v49 =	vadd.s32 v11, v37;
	[tilespmem:v46+s21+$0x0] =	vst.idx.msk $0xffff, v0;
	v0 =	vmul.f32 $8.000000000e+00, v47  }
0x10f: {  	v54 =	vadd.s32 v19, v35;
	[tilespmem:v61+s21+$0x0] =	vst.idx.msk $0xffff, v60;
	v47 =	vmul.f32 $8.000000000e+00, v51  }
0x110: {  	s29 =	sadd.s32 $0x1, s26;
	v59 =	vmov s26;
	v51 =	vadd.s32 v15, v36;
	v48 =	vmul.f32 $8.000000000e+00, v62;
	[tilespmem:v45+s21+$0x0] =	vst.idx.msk $0xffff, v0  }
0x111: {  	v50 =	vmov s29;
	s29 =	sadd.s32 $0x2, s26;
	v42 =	vshrl.u32 v59, $0x3;
	v59 =	vld [tilespmem:s28+$0x50];
	v61 =	vmul.f32 $8.000000000e+00, v56;
	[tilespmem:v55+s21+$0x0] =	vst.idx.msk $0xffff, v47  }
0x112: {  	v52 =	vmov s29;
	s29 =	sadd.s32 $0x3, s26;
	v60 =	vld [tilespmem:s28+$0x90];
	[tilespmem:v53+s21+$0x0] =	vst.idx.msk $0xffff, v48;
	v63 =	vmul.f32 $8.000000000e+00, v58  }
0x113: {  	v44 =	vmov s29;
	s29 =	sadd.s32 $0x4, s26;
	v45 =	vadd.s32 v23, v33;
	v62 =	vmul.f32 $8.000000000e+00, v57;
	[tilespmem:v49+s21+$0x0] =	vst.idx.msk $0xffff, v61;
	v47 =	vld [tilespmem:s28+$0xE0]  }
0x114: {  	v43 =	vmov s29;
	s29 =	sadd.s32 $0x5, s26;
	v53 =	vadd.s32 v27, v34;
	v56 =	vld [tilespmem:s28+$0xFFFFFF60];
	[tilespmem:v54+s21+$0x0] =	vst.idx.msk $0xffff, v63  }
0x115: {  	v46 =	vmov s29;
	s29 =	sadd.s32 $0x6, s26;
	v49 =	vadd.s32 v32, v40;
	[tilespmem:v51+s21+$0x0] =	vst.idx.msk $0xffff, v62;
	v61 =	vld [tilespmem:s28+$0x20]  }
0x116: {  	v38 =	vmov s29;
	v48 =	vmul.f32 $8.000000000e+00, v59;
	v51 =	vadd.s32 v8, v41;
	v59 =	vld [tilespmem:s28+$0xFFFFFFE0]  }
0x117: {  	v0 =	vshll.u32 v42, v1;
	v57 =	vshrl.u32 v44, $0x3;
	v55 =	vld [tilespmem:s28+$0xFFFFFF20];
	v54 =	vmul.f32 $8.000000000e+00, v60  }
0x118: {  	v44 =	vadd.s32 v13, v39;
	v58 =	vld [tilespmem:s28+$0xFFFFFFA0];
	v62 =	vadd.s32 v16, v36;
	[tilespmem:v45+s21+$0x0] =	vst.idx.msk $0xffff, v48;
	v45 =	vmul.f32 $8.000000000e+00, v47  }
0x119: {  	v42 =	vshrl.u32 v38, $0x3;
	v38 =	vbroadcast v0, $0x0;
	[tilespmem:v53+s21+$0x0] =	vst.idx.msk $0xffff, v54;
	v63 =	vld [tilespmem:s28+$0x60];
	v0 =	vmul.f32 $8.000000000e+00, v56  }
0x11a: {  	v60 =	vshrl.u32 v46, $0x3;
	v46 =	vadd.s32 v12, v37;
	v3 =	vld [tilespmem:s28+$0xA0];
	[tilespmem:v49+s21+$0x0] =	vst.idx.msk $0xffff, v45  }
0x11b: {  	[tilespmem:v51+s21+$0x0] =	vst.idx.msk $0xffff, v0;
	v45 =	vshll.u32 v57, v1;
	v57 =	vmul.f32 $8.000000000e+00, v61;
	v61 =	vld [tilespmem:$0x1FFF0];
	v0 =	vmul.f32 $8.000000000e+00, v59  }
0x11c: {  	v55 =	vmul.f32 $8.000000000e+00, v55;
	v59 =	vld [tilespmem:$0x1FF90]  }
0x11d: {  	p0 =	slt.u32 s26, $0x78;
	v50 =	vshrl.u32 v50, $0x3;
	v2 =	vadd.s32 v20, v35;
	[tilespmem:v62+s21+$0x0] =	vst.idx.msk $0xffff, v0;
	v0 =	vld [tilespmem:$0x1FFE0]  }
.Ltmp7:
0x11e: {  	v52 =	vshrl.u32 v52, $0x3;
	v43 =	vshrl.u32 v43, $0x3;
	v58 =	vmul.f32 $8.000000000e+00, v58;
	[tilespmem:v44+s21+$0x0] =	vst.idx.msk $0xffff, v55;
	v55 =	vld [tilespmem:s28+$0xF0];
	(pc) =	sbr.rel @p0 .LBB2_14-.Ltmp7, $4  }
0x11f: {  	v54 =	vadd.s32 v24, v33;
	v47 =	vshll.u32 v50, v1;
	v44 =	vshll.u32 v52, v1;
	v50 =	vld [tilespmem:s28+$0xFFFFFF30]  }
0x120: {  	v51 =	vadd.s32 v28, v34;
	[tilespmem:v46+s21+$0x0] =	vst.idx.msk $0xffff, v58;
	v46 =	vshll.u32 v43, v1;
	v52 =	vld [tilespmem:s28+$0xFFFFFF70]  }
0x121: {  	v43 =	vshll.u32 v60, v1;
	v49 =	vld [tilespmem:s28+$0xFFFFFFB0];
	v48 =	vadd.s32 v61, v39;
	v39 =	vmul.f32 $8.000000000e+00, v63  }
0x122: {  	s29 =	sadd.s32 $0x7, s26;
	s26 =	sadd.s32 $0x8, s26;
	[tilespmem:v2+s21+$0x0] =	vst.idx.msk $0xffff, v57;
	v56 =	vld [tilespmem:s28+$0xFFFFFFF0];
	v53 =	vadd.s32 v59, v40;
	v40 =	vmul.f32 $8.000000000e+00, v3;
	v41 =	vadd.s32 v0, v41  }
0x123: {  	_ =	sdelay $0x3  }
0x124: {  	v0 =	vmov s29;
	v2 =	vadd.s32 v5, v37;
	v3 =	vld [tilespmem:s28+$0x30];
	[tilespmem:v54+s21+$0x0] =	vst.idx.msk $0xffff, v39;
	v62 =	vmul.f32 $8.000000000e+00, v55  }
0x125: {  	v36 =	vadd.s32 v21, v36;
	v0 =	vshrl.u32 v0, $0x3;
	v63 =	vmul.f32 $8.000000000e+00, v50;
	v55 =	vld [tilespmem:s28+$0x70];
	[tilespmem:v51+s21+$0x0] =	vst.idx.msk $0xffff, v40  }
0x126: {  	v35 =	vadd.s32 v9, v35;
	s26 =	sadd.s32 $0x200, s28;
	v0 =	vshll.u32 v0, v1;
	v57 =	vmul.f32 $8.000000000e+00, v52;
	v51 =	vld [tilespmem:s28+$0xB0];
	[tilespmem:v53+s21+$0x0] =	vst.idx.msk $0xffff, v62  }
0x127: {  	v33 =	vadd.s32 v25, v33;
	v58 =	vld [tilespmem:s26+$0xC0];
	v0 =	vbroadcast v0, $0x0;
	[tilespmem:v48+s21+$0x0] =	vst.idx.msk $0xffff, v63;
	v59 =	vmul.f32 $8.000000000e+00, v49  }
0x128: {  	v42 =	vshll.u32 v42, v1;
	v34 =	vadd.s32 v17, v34;
	v60 =	vld [tilespmem:s26+$0xFFFFFF00];
	[tilespmem:v41+s21+$0x0] =	vst.idx.msk $0xffff, v57;
	v61 =	vmul.f32 $8.000000000e+00, v56  }
0x129: {  	v47 =	vbroadcast v47, $0x0;
	v62 =	vld [tilespmem:s26+$0xFFFFFF40];
	v49 =	vadd.s32 v30, v0;
	[tilespmem:v2+s21+$0x0] =	vst.idx.msk $0xffff, v59;
	v2 =	vmul.f32 $8.000000000e+00, v3  }
0x12a: {  	v44 =	vbroadcast v44, $0x0;
	v63 =	vld [tilespmem:s26+$0xFFFFFF80];
	v3 =	vadd.s32 v4, v38;
	[tilespmem:v36+s21+$0x0] =	vst.idx.msk $0xffff, v61;
	v4 =	vmul.f32 $8.000000000e+00, v55  }
0x12b: {  	v45 =	vbroadcast v45, $0x0;
	v40 =	vadd.s32 v6, v47;
	v55 =	vld [tilespmem:s26+$0xFFFFFFC0];
	[tilespmem:v35+s21+$0x0] =	vst.idx.msk $0xffff, v2;
	v2 =	vmul.f32 $8.000000000e+00, v51  }
0x12c: {  	v46 =	vbroadcast v46, $0x0;
	v56 =	vadd.s32 v10, v44;
	v57 =	vld [tilespmem:s26+$0x0];
	v37 =	vmul.f32 $8.000000000e+00, v58;
	[tilespmem:v33+s21+$0x0] =	vst.idx.msk $0xffff, v4  }
0x12d: {  	v43 =	vbroadcast v43, $0x0;
	v59 =	vadd.s32 v14, v45;
	v58 =	vmul.f32 $8.000000000e+00, v60;
	v60 =	vld [tilespmem:s26+$0x40];
	[tilespmem:v34+s21+$0x0] =	vst.idx.msk $0xffff, v2  }
0x12e: {  	v42 =	vbroadcast v42, $0x0;
	v61 =	vadd.s32 v18, v46;
	v2 =	vmul.f32 $8.000000000e+00, v62;
	v62 =	vld [tilespmem:s26+$0x80];
	[tilespmem:v49+s21+$0x0] =	vst.idx.msk $0xffff, v37  }
0x12f: {  	[tilespmem:v3+s21+$0x0] =	vst.idx.msk $0xffff, v58;
	v3 =	vmul.f32 $8.000000000e+00, v63;
	v63 =	vadd.s32 v22, v43;
	v37 =	vld [tilespmem:s26+$0xD0]  }
0x130: {  	v6 =	vld [tilespmem:s26+$0xFFFFFF10];
	[tilespmem:v40+s21+$0x0] =	vst.idx.msk $0xffff, v2;
	v2 =	vmul.f32 $8.000000000e+00, v55;
	v40 =	vadd.s32 v26, v42  }
0x131: {  	v35 =	vadd.s32 v31, v0;
	v14 =	vld [tilespmem:s26+$0xFFFFFF50];
	[tilespmem:v56+s21+$0x0] =	vst.idx.msk $0xffff, v3;
	v3 =	vmul.f32 $8.000000000e+00, v57  }
0x132: {  	v50 =	vadd.s32 v29, v38;
	v55 =	vld [tilespmem:s26+$0xFFFFFF90];
	[tilespmem:v59+s21+$0x0] =	vst.idx.msk $0xffff, v2;
	v2 =	vmul.f32 $8.000000000e+00, v60  }
0x133: {  	v36 =	vadd.s32 v7, v47;
	v18 =	vld [tilespmem:s26+$0xFFFFFFD0];
	[tilespmem:v61+s21+$0x0] =	vst.idx.msk $0xffff, v3;
	v3 =	vmul.f32 $8.000000000e+00, v62  }
0x134: {  	v52 =	vadd.s32 v11, v44;
	v53 =	vld [tilespmem:s26+$0x10];
	[tilespmem:v63+s21+$0x0] =	vst.idx.msk $0xffff, v2;
	v2 =	vmul.f32 $8.000000000e+00, v37  }
0x135: {  	v59 =	vmul.f32 $8.000000000e+00, v6;
	v37 =	vadd.s32 v15, v45;
	v6 =	vld [tilespmem:s26+$0x50];
	[tilespmem:v40+s21+$0x0] =	vst.idx.msk $0xffff, v3  }
0x136: {  	v10 =	vmov v7;
	v7 =	vadd.s32 v19, v46;
	v3 =	vmul.f32 $8.000000000e+00, v14;
	v14 =	vld [tilespmem:s26+$0x90];
	[tilespmem:v35+s21+$0x0] =	vst.idx.msk $0xffff, v2  }
0x137: {  	v60 =	vmov v15;
	v15 =	vadd.s32 v23, v43;
	[tilespmem:v50+s21+$0x0] =	vst.idx.msk $0xffff, v59;
	v2 =	vmul.f32 $8.000000000e+00, v55;
	v35 =	vld [tilespmem:s26+$0xE0]  }
0x138: {  	v50 =	vld [tilespmem:s26+$0xFFFFFF20];
	[tilespmem:v36+s21+$0x0] =	vst.idx.msk $0xffff, v3;
	v3 =	vmul.f32 $8.000000000e+00, v18;
	v36 =	vadd.s32 v27, v42  }
0x139: {  	v34 =	vadd.s32 v32, v0;
	v18 =	vld [tilespmem:s26+$0xFFFFFF60];
	[tilespmem:v52+s21+$0x0] =	vst.idx.msk $0xffff, v2;
	v2 =	vmul.f32 $8.000000000e+00, v53  }
0x13a: {  	v41 =	vadd.s32 v13, v38;
	v63 =	vmov v19;
	v19 =	vld [tilespmem:s26+$0xFFFFFFA0];
	[tilespmem:v37+s21+$0x0] =	vst.idx.msk $0xffff, v3;
	v3 =	vmul.f32 $8.000000000e+00, v6  }
0x13b: {  	v37 =	vadd.s32 v8, v47;
	[tilespmem:v7+s21+$0x0] =	vst.idx.msk $0xffff, v2;
	v2 =	vmul.f32 $8.000000000e+00, v14  }
0x13c: {  	v6 =	vadd.s32 v12, v44;
	v39 =	vld [tilespmem:s26+$0xFFFFFFE0];
	[tilespmem:v15+s21+$0x0] =	vst.idx.msk $0xffff, v3;
	v3 =	vmul.f32 $8.000000000e+00, v35  }
0x13d: {  	v58 =	vmov v12;
	v12 =	vmul.f32 $8.000000000e+00, v50;
	[tilespmem:v36+s21+$0x0] =	vst.idx.msk $0xffff, v2  }
0x13e: {  	v14 =	vadd.s32 v16, v45;
	v2 =	vmul.f32 $8.000000000e+00, v18;
	[tilespmem:v34+s21+$0x0] =	vst.idx.msk $0xffff, v3  }
0x13f: {  	v7 =	vld [tilespmem:s26+$0x20];
	[tilespmem:v41+s21+$0x0] =	vst.idx.msk $0xffff, v12;
	v3 =	vmul.f32 $8.000000000e+00, v19  }
0x140: {  	v15 =	vld [tilespmem:s26+$0x60];
	[tilespmem:v37+s21+$0x0] =	vst.idx.msk $0xffff, v2  }
0x141: {  	v18 =	vld [tilespmem:s26+$0xA0];
	v2 =	vmul.f32 $8.000000000e+00, v39;
	[tilespmem:v6+s21+$0x0] =	vst.idx.msk $0xffff, v3  }
0x142: {  	v59 =	vmov v32;
	v32 =	vld [tilespmem:$0x1FF90]  }
0x143: {  	v40 =	vld [tilespmem:$0x1FFF0];
	[tilespmem:v14+s21+$0x0] =	vst.idx.msk $0xffff, v2  }
0x144: {  	v61 =	vmov v16;
	v16 =	vadd.s32 v20, v46;
	v53 =	vld [tilespmem:$0x1FFE0]  }
0x145: {  	v19 =	vadd.s32 v24, v43;
	v34 =	vld [tilespmem:s26+$0xF0]  }
0x146: {  	v41 =	vld [tilespmem:s26+$0xFFFFFF30];
	v37 =	vadd.s32 v28, v42  }
0x147: {  	v39 =	vld [tilespmem:s26+$0xFFFFFF70];
	v3 =	vmul.f32 $8.000000000e+00, v7  }
0x148: {  	v2 =	vmul.f32 $8.000000000e+00, v15;
	v0 =	vadd.s32 v32, v0;
	v49 =	vmovc v40;
	v38 =	vadd.s32 v40, v38;
	v40 =	vld [tilespmem:s26+$0xFFFFFFB0]  }
0x149: {  	v14 =	vld [tilespmem:s26+$0xFFFFFFF0];
	[tilespmem:v16+s21+$0x0] =	vst.idx.msk $0xffff, v3;
	v3 =	vmul.f32 $8.000000000e+00, v18;
	v12 =	vadd.s32 v53, v47  }
0x14a: {  	v15 =	vadd.s32 v5, v44;
	v16 =	vld [tilespmem:s26+$0x30];
	[tilespmem:v19+s21+$0x0] =	vst.idx.msk $0xffff, v2  }
0x14b: {  	v19 =	vadd.s32 v21, v45;
	v2 =	vmul.f32 $8.000000000e+00, v34;
	v45 =	vld [tilespmem:s26+$0x70];
	[tilespmem:v37+s21+$0x0] =	vst.idx.msk $0xffff, v3  }
0x14c: {  	v48 =	vadd.s32 v9, v46;
	v3 =	vmul.f32 $8.000000000e+00, v39;
	v51 =	vld [tilespmem:s26+$0xB0]  }
0x14d: {  	[tilespmem:v0+s21+$0x0] =	vst.idx.msk $0xffff, v2;
	v0 =	vmul.f32 $8.000000000e+00, v40  }
0x14e: {  	v2 =	vadd.s32 v25, v43;
	[tilespmem:v12+s21+$0x0] =	vst.idx.msk $0xffff, v3;
	v3 =	vmul.f32 $8.000000000e+00, v14  }
0x14f: {  	v50 =	vmov v53;
	v53 =	vadd.s32 v17, v42;
	[tilespmem:v15+s21+$0x0] =	vst.idx.msk $0xffff, v0;
	v0 =	vmul.f32 $8.000000000e+00, v16  }
0x150: {  	v18 =	vmul.f32 $8.000000000e+00, v41;
	[tilespmem:v19+s21+$0x0] =	vst.idx.msk $0xffff, v3  }
0x151: {  	s29 =	sshll.u32 s25, $0x4;
	v3 =	vmul.f32 $8.000000000e+00, v45;
	[tilespmem:v48+s21+$0x0] =	vst.idx.msk $0xffff, v0;
	v0 =	vmul.f32 $8.000000000e+00, v51  }
0x152: {  	s30 =	sshll.u32 s25, $0xA;
	s26 =	sand.u32 $0x7F0, s29;
	[tilespmem:v38+s21+$0x0] =	vst.idx.msk $0xffff, v18  }
0x153: {  	v54 =	vmov v21;
	s25 =	sand.u32 $0xFFE0000, s30;
	s26 =	sadd.s32 s7, s26;
	[tilespmem:v2+s21+$0x0] =	vst.idx.msk $0xffff, v3  }
0x154: {  	s31 =	simm.s32 $0x6300;
	v30 =	vmovc v26;
	v31 =	vmovc v28;
	v22 =	vmov v24;
	v57 =	vmov v11;
	v56 =	vmov v23;
	s25 =	sadd.s32 s25, s26;
	s26 =	simm.s32 $0x220;
	[tilespmem:v53+s21+$0x0] =	vst.idx.msk $0xffff, v0  }
0x155: {  	v62 =	vmovc v27;
	v55 =	vmovc v8;
	v52 =	vmov v20;
	v2 =	vmov v13;
	[hbm4b:s25+s3] =	stream.linear.scatter [tilespmem:s31], [sflag:$0x6], $0x80, $0x38;
	v0 =	vmov v29;
	[tilespmem:$0x8500] =	vst v63  }
.LBB2_16:
0x156: {  	p0 =	sne.s32 s26, $0x85E0  }
.Ltmp8:
0x157: {  	_ = 	snop;
	(pc) =	sbr.rel @p0 .LBB2_16-.Ltmp8, $4  }
0x158: {  	_ = 	snop  }
0x159: {  	s28 =	sshra.s32 s26, $0x2;
	s26 =	sadd.s32 $0x220, s26  }
0x15a: {  	s25 =	sadd.s32 $0x800, s25;
	s28 =	sadd.s32 $0x6300, s28  }
0x15b: {  	[hbm4b:s25+s3] =	stream.linear.scatter [tilespmem:s28], [sflag:$0x6], $0x80, $0x38;
	[tilespmem:$0x8500] =	vst v63  }
0x15c: {  	v4 =	vld [tilespmem:$0x1FF10]  }
0x15d: {  	v6 =	vld [tilespmem:$0x1FF20]  }
0x15e: {  	s24 =	sadd.s32 $0x1, s24;
	v7 =	vmov v10;
	v10 =	vld [tilespmem:$0x1FF30]  }
0x15f: {  	v14 =	vld [tilespmem:$0x1FF40];
	p0 =	sne.s32 s24, $0x64  }
.Ltmp9:
0x160: {  	v18 =	vld [tilespmem:$0x1FF50];
	(pc) =	sbr.rel @p0 .LBB2_2-.Ltmp9, $4  }
0x161: {  	v24 =	vld [tilespmem:$0x1FF60]  }
0x162: {  	v5 =	vmov v49;
	v8 =	vmov v55;
	v26 =	vmov v30;
	v30 =	vld [tilespmem:$0x1FF70]  }
0x163: {  	v9 =	vmovc v50;
	v11 =	vmovc v57;
	v12 =	vmov v58;
	v15 =	vmov v60;
	v16 =	vmov v61;
	v28 =	vld [tilespmem:$0x1FF80]  }
0x164: {  	v19 =	vmovc v63;
	v20 =	vmovc v52;
	v23 =	vmov v56;
	v27 =	vmov v62;
	v32 =	vmov v59;
	v3 =	vld [tilespmem:$0x1FF90]  }
0x165: {  	s23 =	sadd.s32 $0x1, s23  }
0x166: {  	_ =	swait.ge [sflag:s22], $0x2000;
	p0 =	sne.s32 s23, s11  }
.Ltmp10:
0x167: {  	[sflag:s22] =	ssyncset.done $0x0;
	(pc) =	sbr.rel @p0 .LBB2_1-.Ltmp10, $4  }
0x168: {  	[sflag:s22] =	ssyncadd.s32 $0xFFFFE000  }
0x169: {  	_ =	swait.ge [sflag:s20], $0x2000  }
0x16a: {  	[sflag:s20] =	ssyncset.done $0x0  }
0x16b: {  	[sflag:s20] =	ssyncadd.s32 $0xFFFFE000  }
0x16c: {  	_ =	sfence.sel $0x180000  }
0x16d: {  	[bflag:$0x0] =	sbarrier.arrive $0xFFFF  }
0x16e: {  	p0 =	sne.s32 s0, $0x0;
	_ =	strace $0x90000047  }
0x16f: {  	s0 =	sadd.s32 @!p0 $0x100000, s2;
	[bflag:$0x2] =	sbarrier.arrive $0xFFFF  }
0x170: {  	[sflag:s0] =	ssyncadd.tile.s32 @!p0 $0x1;
	_ =	shalt  }
.Lfunc_end2:
_tile_overlayer_lowered:
.L_overlay_start_2:
0x171: {  	(tag) =	ssettag $0x2  }
0x172: {  	s0 =	rddreg [dreg:$0x0];
	s2 =	stileid.u32  }
0x173: {  	s1 =	rddreg [dreg:$0x1];
	p0 =	sne.s32 s2, $0x0  }
0x174: {  	s3 =	rddreg [dreg:$0x2];
	[bflag:$0x3] =	sbarrier.arrive $0xFFFF;
	s2 =	simm.s32 @!p0 $0x1C07  }
0x175: {  	[timem:s3], [sflag:s2] =	dma.local @!p0 [hbm:s0], s1  }
0x176: {  	s0 =	simm.s32 @!p0 $0x7  }
0x177: {  	_ =	swait.ge @!p0 [sflag:s0], s1  }
0x178: {  	s1 =	ssub.s32 @!p0 $0x0, s1;
	[sflag:s0] =	ssyncset.done @!p0 $0x0  }
0x179: {  	[sflag:s0] =	ssyncadd.s32 @!p0 s1  }
0x17a: {  	[bflag:$0x3] =	sbarrier.arrive $0xFFFF  }
0x17b: {  	_ =	shalt  }

</sc_bundles>
